<compile_context>
chip_gen: v7x
topology: tpu7x:2x2x1
jax: 0.10.2.dev20260603
libtpu: 0.0.44.dev20260713+nightly
codegen_flags: <defaults>
</compile_context>

<pallas_src>
import jax
import jax.numpy as jnp
from jax import lax
from jax.experimental import pallas as pl
from jax.experimental.pallas import tpu as pltpu
from jax.experimental.pallas import tpu_sc as plsc

NC, NS, L = 2, 16, 16
NW = NC * NS
BL = 8
AH = 13


def _olf_body(fm_ref, w_ref, kcy_ref, par_ref, o_ref):
    o_ref[0:2, :] = lax.dot_general(w_ref[...], fm_ref[...],
                                    (((1,), (1,)), ((), ())),
                                    preferred_element_type=jnp.float32)
    o_ref[2, :] = kcy_ref[...]
    o_ref[3, :] = par_ref[...]


def _olf(FM2d, w2, kcy, par_row, rows_per_blk=2048):
    n, d = FM2d.shape
    return pl.pallas_call(
        _olf_body,
        grid=(n // rows_per_blk,),
        in_specs=[pl.BlockSpec((rows_per_blk, d), lambda i: (i, 0)),
                  pl.BlockSpec((2, d), lambda i: (0, 0)),
                  pl.BlockSpec((rows_per_blk,), lambda i: (i,)),
                  pl.BlockSpec((rows_per_blk,), lambda i: (i,))],
        out_specs=pl.BlockSpec((4, rows_per_blk), lambda i: (0, i)),
        out_shape=jax.ShapeDtypeStruct((4, n), jnp.float32),
    )(FM2d, w2, kcy, par_row)


def _log_body(p0_ref, p1_ref, o0_ref, o1_ref):
    gb = p0_ref.shape[0] * BL
    p0 = p0_ref[:, 0].reshape(gb, -1)
    p1 = p1_ref[:, 1].reshape(gb, -1)
    ls = jnp.log(p0 + p1)
    o0_ref[...] = jnp.log(p0) - ls
    o1_ref[...] = jnp.log(p1) - ls


def _log_norm(py4d, T, gs=4):
    return pl.pallas_call(
        _log_body,
        grid=(NW // gs,),
        in_specs=[pl.BlockSpec((gs, 2, BL, T), lambda g: (g, 0, 0, 0))] * 2,
        out_specs=[pl.BlockSpec((gs * BL, T), lambda g: (g, 0))] * 2,
        out_shape=[jax.ShapeDtypeStruct((NW * BL, T), jnp.float32)] * 2,
    )(py4d, py4d)


def _offsets(C):
    off_tm = 0
    off_dok = 4 * C
    off_edab = off_dok + 2 * C
    off_a0b = off_edab + 32
    end = off_a0b + C * 2 * L
    total = (end + 127) // 128 * 128
    return off_tm, off_dok, off_edab, off_a0b, total


def _sc_scan_body(offs, big_hbm, out_hbm,
                  kcy_v, v0_v, v1_v, tm_v, dok_v, edab_sv, edab_v, alpha_v,
                  w_v, buf_v, out_v):
    T = kcy_v.shape[0] // BL
    off_tm, off_dok, off_edab, off_a0b, _ = offs
    n = big_hbm.shape[0] // 4
    C2L = 100 * 2 * L
    wid = lax.axis_index("s") * NC + lax.axis_index("c")
    base = wid * (BL * T)

    pltpu.sync_copy(big_hbm.at[pl.ds(2 * n + base, BL * T)], kcy_v)
    pltpu.sync_copy(big_hbm.at[pl.ds(base, BL * T)], v0_v)
    pltpu.sync_copy(big_hbm.at[pl.ds(n + base, BL * T)], v1_v)
    pltpu.sync_copy(big_hbm.at[pl.ds(3 * n + off_tm, tm_v.shape[0])], tm_v)
    pltpu.sync_copy(big_hbm.at[pl.ds(3 * n + off_dok, dok_v.shape[0])], dok_v)
    pltpu.sync_copy(big_hbm.at[pl.ds(3 * n + off_edab, 32)], edab_sv)
    pltpu.sync_copy(big_hbm.at[pl.ds(3 * n + off_a0b, C2L)],
                    alpha_v.at[pl.ds(0, C2L)])

    lane = lax.iota(jnp.int32, L)
    one = jnp.full((L,), 1.0, jnp.float32)
    bl = lane & 7
    hv = lane >> 3
    blT = bl * T
    lxor = lane ^ 8
    h0 = lane < 8

    def init_j(j, carry):
        jv = jnp.full((L,), j, jnp.int32)
        w_v[pl.ds(j * L, L)] = jnp.where((jv == AH - 1) & (hv == 1),
                                         0.0, 1.0).astype(jnp.float32)
        edab_v[pl.ds(j * L, L)] = plsc.load_gather(edab_sv, [hv * AH + jv])
        return carry
    lax.fori_loop(0, AH, init_j, 0)

    def init_alpha(i, carry):
        v = alpha_v[pl.ds(i * L, L)]
        for j in range(1, AH):
            alpha_v[pl.ds(j * C2L + i * L, L)] = v
        return carry
    lax.fori_loop(0, C2L // L, init_alpha, 0)

    def t_step(t, invS):
        ki = plsc.load_gather(kcy_v, [blT + t]).astype(jnp.int32)
        c = ki & 255
        my = (ki >> 8) == 1
        v0 = plsc.load_gather(v0_v, [blT + t])
        v1 = plsc.load_gather(v1_v, [blT + t])
        c4 = c * 4
        t00 = plsc.load_gather(tm_v, [c4])
        t01 = plsc.load_gather(tm_v, [c4 + 1])
        d0 = plsc.load_gather(dok_v, [c * 2])
        d1 = plsc.load_gather(dok_v, [c * 2 + 1])
        es0 = jnp.exp(d0 + v0)
        es1 = jnp.exp(d1 + v1)
        cbase = c * (2 * L) + lane

        def a_step(j, carry):
            acc0, acc1, ssum = carry
            idx0 = cbase + j * (2 * L * 100)
            idx1 = idx0 + L
            al0 = plsc.load_gather(alpha_v, [idx0])
            al1 = plsc.load_gather(alpha_v, [idx1])
            ed = edab_v[pl.ds(j * L, L)]
            e0 = es0 * ed
            e1 = es1 * ed
            r0 = one / (one + e0)
            r1 = one / (one + e1)
            q0 = r0 * al0
            q1 = r1 * al1
            u0 = q0 + q1
            u1 = q0 * e0 + q1 * e1
            rs = one / (u0 + u1)
            pgb0 = u0 * rs
            pgb1 = u1 * rs
            g0 = jnp.where(my, e0, one) * q0
            g1 = jnp.where(my, e1, one) * q1
            gs = g0 + g1
            na0 = t00 * g0 + t01 * g1
            na1 = gs - na0
            inv = one / gs
            plsc.store_scatter(alpha_v, [idx0], na0 * inv)
            plsc.store_scatter(alpha_v, [idx1], na1 * inv)
            wv = w_v[pl.ds(j * L, L)] * invS
            acc0 = acc0 + wv * pgb0
            acc1 = acc1 + wv * pgb1
            wn = wv * jnp.where(my, pgb1, pgb0)
            w_v[pl.ds(j * L, L)] = wn
            return acc0, acc1, ssum + wn

        zero = jnp.zeros((L,), jnp.float32)
        acc0, acc1, ssum = lax.fori_loop(0, AH, a_step, (zero, zero, zero))
        buf_v[...] = acc0
        acc0 = acc0 + plsc.load_gather(buf_v, [lxor])
        buf_v[...] = acc1
        acc1 = acc1 + plsc.load_gather(buf_v, [lxor])
        buf_v[...] = ssum
        ssum = ssum + plsc.load_gather(buf_v, [lxor])
        plsc.store_scatter(out_v, [blT + t], acc0, mask=h0)
        plsc.store_scatter(out_v, [BL * T + blT + t], acc1, mask=h0)
        return one / ssum

    lax.fori_loop(0, T, t_step, one)
    pltpu.sync_copy(out_v, out_hbm.at[pl.ds(wid * (2 * BL * T), 2 * BL * T)])


def _sc_scan(big, T, C):
    import functools
    offs = _offsets(C)
    mesh = plsc.VectorSubcoreMesh(core_axis_name="c", subcore_axis_name="s")
    f = pl.kernel(
        functools.partial(_sc_scan_body, offs),
        out_type=jax.ShapeDtypeStruct((NW * 2 * BL * T,), jnp.float32),
        mesh=mesh,
        compiler_params=pltpu.CompilerParams(needs_layout_passes=False),
        scratch_types=[
            pltpu.VMEM((BL * T,), jnp.float32),
            pltpu.VMEM((BL * T,), jnp.float32),
            pltpu.VMEM((BL * T,), jnp.float32),
            pltpu.VMEM((4 * C,), jnp.float32),
            pltpu.VMEM((2 * C,), jnp.float32),
            pltpu.VMEM((32,), jnp.float32),
            pltpu.VMEM((AH * L,), jnp.float32),
            pltpu.VMEM((AH * 100 * 2 * L,), jnp.float32),
            pltpu.VMEM((AH * L,), jnp.float32),
            pltpu.VMEM((L,), jnp.float32),
            pltpu.VMEM((2 * BL * T,), jnp.float32),
        ],
    )
    return f(big)


def kernel(corr, kc, problem, FM, trans_logits, obs_logits_problem,
           obs_logits_kc, init_logits, lr_w, lr_b, abilities):
    B, T = corr.shape
    C = trans_logits.shape[0]
    A = abilities.shape[1]

    n = B * T

    tm = jax.nn.softmax(trans_logits, axis=1)
    a0 = jax.nn.softmax(init_logits, axis=1)
    dok = obs_logits_kc[:, :, 1] - obs_logits_kc[:, :, 0]
    edab = jnp.exp(abilities[1] - abilities[0])

    kcy = (kc + 256 * corr).astype(jnp.float32).reshape(-1)
    edab_ext = jnp.concatenate(
        [edab, jnp.ones((2 * AH - A,), jnp.float32),
         jnp.zeros((32 - 2 * AH,), jnp.float32)])
    a0b = jnp.broadcast_to(a0[:, :, None], (C, 2, L)).reshape(-1)
    par_row = jnp.concatenate(
        [tm.reshape(-1), dok.reshape(-1), edab_ext, a0b,
         jnp.zeros((n - (6 * C + 32) - C * 2 * L,), jnp.float32)])

    big = _olf(FM.reshape(n, -1), -2.0 * lr_w, kcy, par_row).reshape(-1)

    py = _sc_scan(big, T, C)

    o0, o1 = _log_norm(py.reshape(NW, 2, BL, T), T)
    return jnp.stack([o0, o1], axis=2)

# --- scband reference (transcript-rebuilt; emitter-appended) ---
"""Pipeline reference for scband-bkt-model-16527034155050 (READ-ONLY COPY).

The authoritative reference and input builder live on the scoring server;
editing this copy changes nothing except your own understanding.
"""

import jax, jax.numpy as jnp
import numpy as np
from jax.scipy.special import logsumexp

B, T, C, P, A = 256, 200, 100, 10000, 25

def setup_inputs(seed: int = 0):
    key = jax.random.key(seed)
    ks = jax.random.split(key, 10)
    corr = jax.random.randint(ks[0], (B, T), 0, 2)
    kc = jax.random.randint(ks[1], (B, T), 0, C)
    problem = jax.random.randint(ks[2], (B, T), 0, P)
    FM = jax.random.normal(ks[3], (B, T, 2 * C), dtype=jnp.float32)
    trans_logits = jax.random.normal(ks[4], (C, 2, 2), dtype=jnp.float32)
    obs_logits_problem = jnp.zeros((P, 2, 2), dtype=jnp.float32)
    obs_logits_kc = jax.random.normal(ks[5], (C, 2, 2), dtype=jnp.float32)
    init_logits = jax.random.normal(ks[6], (C, 2), dtype=jnp.float32)
    lr_w = jax.random.normal(ks[7], (2, 2 * C), dtype=jnp.float32) / np.sqrt(2.0 * C)
    lr_b = jnp.zeros((2,), dtype=jnp.float32)
    a = jnp.linspace(-3.0, 3.0, A)
    abilities = jnp.vstack((-a, a)).astype(jnp.float32)
    return {"corr": corr, "kc": kc, "problem": problem, "FM": FM,
            "trans_logits": trans_logits, "obs_logits_problem": obs_logits_problem,
            "obs_logits_kc": obs_logits_kc, "init_logits": init_logits,
            "lr_w": lr_w, "lr_b": lr_b, "abilities": abilities}

def _bkt_forward(FM, trans_logits, obs_logits_problem, obs_logits_kc, init_logits, lr_w, lr_b, corr, kc, problem, abilities):
    nb = corr.shape[0]
    nA = abilities.shape[1]
    nC = trans_logits.shape[0]
    # BktModel.forward: linear + antisymmetric concat -> obs_logits_fv [B, T, 2, 2]
    olf = jnp.einsum('btd,od->bto', FM, lr_w) + lr_b
    olf = olf[:, :, :, None]
    obs_logits_fv = jnp.concatenate((olf, -olf), axis=3)
    batch_idx = jnp.arange(nb)
    log_alpha0 = jax.nn.log_softmax(init_logits, axis=1)  # [C, 2]
    log_t = jax.nn.log_softmax(trans_logits, axis=1)      # [C, 2, 2]
    log_alpha = jnp.broadcast_to(log_alpha0[None, :, :, None], (nb, nC, 2, nA)).astype(jnp.float32)
    log_ability = jnp.full((nb, nA), -np.log(float(nA)), dtype=jnp.float32)

    def step(carry, xs):
        log_alpha, log_ability = carry
        curr_chain, curr_problem, curr_y, fv = xs
        logit = (obs_logits_problem[curr_problem][:, :, :, None]
                 + obs_logits_kc[curr_chain][:, :, :, None]
                 + abilities[None, None, :, :]
                 + fv[:, :, :, None])                      # [B, S, O, A]
        log_obs = jax.nn.log_softmax(logit, axis=2)
        la_sel = log_alpha[batch_idx, curr_chain]          # [B, S, A]
        log_py_given_beta = logsumexp(log_obs + la_sel[:, :, None, :], axis=1)  # [B, O, A]
        log_py_given_beta = log_py_given_beta - logsumexp(log_py_given_beta, axis=1)[:, None, :]
        log_py_s = log_obs[batch_idx, :, curr_y, :]        # [B, S, A]
        new_alpha = logsumexp(log_py_s[:, None, :, :] + la_sel[:, None, :, :] + log_t[curr_chain][:, :, :, None], axis=2)  # [B, S, A]
        log_alpha = log_alpha.at[batch_idx, curr_chain].set(new_alpha)
        log_py = logsumexp(log_ability[:, None, :] + log_py_given_beta, axis=2)  # [B, O]
        log_py = log_py - logsumexp(log_py, axis=1)[:, None]
        log_actual = log_py_given_beta[batch_idx, curr_y, :]
        log_ability = log_ability + log_actual
        return (log_alpha, log_ability), log_py

    xs = (jnp.transpose(kc, (1, 0)), jnp.transpose(problem, (1, 0)), jnp.transpose(corr, (1, 0)), jnp.transpose(obs_logits_fv, (1, 0, 2, 3)))
    (_, _), outs = jax.lax.scan(step, (log_alpha, log_ability), xs)
    return jnp.transpose(outs, (1, 0, 2))  # [B, T, 2]

def reference(corr, kc, problem, FM, trans_logits, obs_logits_problem, obs_logits_kc, init_logits, lr_w, lr_b, abilities):
    return _bkt_forward(FM, trans_logits, obs_logits_problem, obs_logits_kc, init_logits, lr_w, lr_b, corr, kc, problem, abilities)

if __name__ == "__main__":
    import jax
    _d = setup_inputs()
    print(jax.jit(kernel)(*tuple(_d.values())))

</pallas_src>

<mosaic_0001>
#map = affine_map<(d0, d1) -> (0)>
module attributes {stable_mosaic.version = 14 : i64} {
  func.func @_sc_scan_body(%arg0: i32, %arg1: i32, %arg2: memref<204800xf32, #tpu.memory_space<hbm>>, %arg3: memref<102400xf32, #tpu.memory_space<hbm>>, %arg4: memref<1600xf32, #tpu.memory_space<vmem>>, %arg5: memref<1600xf32, #tpu.memory_space<vmem>>, %arg6: memref<1600xf32, #tpu.memory_space<vmem>>, %arg7: memref<400xf32, #tpu.memory_space<vmem>>, %arg8: memref<200xf32, #tpu.memory_space<vmem>>, %arg9: memref<32xf32, #tpu.memory_space<vmem>>, %arg10: memref<208xf32, #tpu.memory_space<vmem>>, %arg11: memref<41600xf32, #tpu.memory_space<vmem>>, %arg12: memref<208xf32, #tpu.memory_space<vmem>>, %arg13: memref<16xf32, #tpu.memory_space<vmem>>, %arg14: memref<3200xf32, #tpu.memory_space<vmem>>) attributes {dimension_semantics = [#tpu.dimension_semantics<core_parallel>, #tpu.dimension_semantics<subcore_parallel>], iteration_bounds = array<i64: 2, 16>, scalar_prefetch = 0 : i64, scratch_operands = 11 : i64, tpu.core_type = #tpu.core_type<sc_vector_subcore>, window_params = [{transform_indices = #map}, {transform_indices = #map}]} {
    %mul3A = arith.constant 2 : i32
    %mul3A_0 = arith.muli %arg1, %mul3A : i32
    %add3A = arith.addi %mul3A_0, %arg0 : i32
    %mul3A_1 = arith.constant 1600 : i32
    %mul3A_2 = arith.muli %add3A, %mul3A_1 : i32
    %add3A_3 = arith.constant 102400 : i32
    %add3A_4 = arith.addi %add3A_3, %mul3A_2 : i32
    "tpu.region"() ({
      %run_scoped3A = tpu.sem_alloc : memref<!tpu.dma_semaphore, #tpu.memory_space<semaphore_mem>>
      %dma_start3A = tpu.memref_slice %arg2[%add3A_4] : memref<204800xf32, #tpu.memory_space<hbm>> -> memref<1600xf32, #tpu.memory_space<hbm>>
      %dma_start3A_38 = tpu.memref_slice %arg2[%add3A_4] : memref<204800xf32, #tpu.memory_space<hbm>> -> memref<1600xf32, #tpu.memory_space<hbm>>
      tpu.enqueue_dma source(%dma_start3A_38 : memref<1600xf32, #tpu.memory_space<hbm>>) target(%arg4 : memref<1600xf32, #tpu.memory_space<vmem>>) target_semaphore(%run_scoped3A : memref<!tpu.dma_semaphore, #tpu.memory_space<semaphore_mem>>)
      %dma_wait3A = tpu.memref_slice %arg2[%add3A_4] : memref<204800xf32, #tpu.memory_space<hbm>> -> memref<1600xf32, #tpu.memory_space<hbm>>
      %dma_wait3A_39 = tpu.memref_slice %arg2[%add3A_4] : memref<204800xf32, #tpu.memory_space<hbm>> -> memref<1600xf32, #tpu.memory_space<hbm>>
      tpu.wait_dma2 semaphore(%run_scoped3A : memref<!tpu.dma_semaphore, #tpu.memory_space<semaphore_mem>>) src(%dma_wait3A_39 : memref<1600xf32, #tpu.memory_space<hbm>>) dst(%arg4 : memref<1600xf32, #tpu.memory_space<vmem>>)
      tpu.yield
    }) : () -> ()
    "tpu.region"() ({
      %run_scoped3A = tpu.sem_alloc : memref<!tpu.dma_semaphore, #tpu.memory_space<semaphore_mem>>
      %dma_start3A = tpu.memref_slice %arg2[%mul3A_2] : memref<204800xf32, #tpu.memory_space<hbm>> -> memref<1600xf32, #tpu.memory_space<hbm>>
      %dma_start3A_38 = tpu.memref_slice %arg2[%mul3A_2] : memref<204800xf32, #tpu.memory_space<hbm>> -> memref<1600xf32, #tpu.memory_space<hbm>>
      tpu.enqueue_dma source(%dma_start3A_38 : memref<1600xf32, #tpu.memory_space<hbm>>) target(%arg5 : memref<1600xf32, #tpu.memory_space<vmem>>) target_semaphore(%run_scoped3A : memref<!tpu.dma_semaphore, #tpu.memory_space<semaphore_mem>>)
      %dma_wait3A = tpu.memref_slice %arg2[%mul3A_2] : memref<204800xf32, #tpu.memory_space<hbm>> -> memref<1600xf32, #tpu.memory_space<hbm>>
      %dma_wait3A_39 = tpu.memref_slice %arg2[%mul3A_2] : memref<204800xf32, #tpu.memory_space<hbm>> -> memref<1600xf32, #tpu.memory_space<hbm>>
      tpu.wait_dma2 semaphore(%run_scoped3A : memref<!tpu.dma_semaphore, #tpu.memory_space<semaphore_mem>>) src(%dma_wait3A_39 : memref<1600xf32, #tpu.memory_space<hbm>>) dst(%arg5 : memref<1600xf32, #tpu.memory_space<vmem>>)
      tpu.yield
    }) : () -> ()
    %add3A_5 = arith.constant 51200 : i32
    %add3A_6 = arith.addi %add3A_5, %mul3A_2 : i32
    "tpu.region"() ({
      %run_scoped3A = tpu.sem_alloc : memref<!tpu.dma_semaphore, #tpu.memory_space<semaphore_mem>>
      %dma_start3A = tpu.memref_slice %arg2[%add3A_6] : memref<204800xf32, #tpu.memory_space<hbm>> -> memref<1600xf32, #tpu.memory_space<hbm>>
      %dma_start3A_38 = tpu.memref_slice %arg2[%add3A_6] : memref<204800xf32, #tpu.memory_space<hbm>> -> memref<1600xf32, #tpu.memory_space<hbm>>
      tpu.enqueue_dma source(%dma_start3A_38 : memref<1600xf32, #tpu.memory_space<hbm>>) target(%arg6 : memref<1600xf32, #tpu.memory_space<vmem>>) target_semaphore(%run_scoped3A : memref<!tpu.dma_semaphore, #tpu.memory_space<semaphore_mem>>)
      %dma_wait3A = tpu.memref_slice %arg2[%add3A_6] : memref<204800xf32, #tpu.memory_space<hbm>> -> memref<1600xf32, #tpu.memory_space<hbm>>
      %dma_wait3A_39 = tpu.memref_slice %arg2[%add3A_6] : memref<204800xf32, #tpu.memory_space<hbm>> -> memref<1600xf32, #tpu.memory_space<hbm>>
      tpu.wait_dma2 semaphore(%run_scoped3A : memref<!tpu.dma_semaphore, #tpu.memory_space<semaphore_mem>>) src(%dma_wait3A_39 : memref<1600xf32, #tpu.memory_space<hbm>>) dst(%arg6 : memref<1600xf32, #tpu.memory_space<vmem>>)
      tpu.yield
    }) : () -> ()
    "tpu.region"() ({
      %run_scoped3A = tpu.sem_alloc : memref<!tpu.dma_semaphore, #tpu.memory_space<semaphore_mem>>
      %dma_start3A = arith.constant 153600 : i32
      %dma_start3A_38 = tpu.memref_slice %arg2[%dma_start3A] : memref<204800xf32, #tpu.memory_space<hbm>> -> memref<400xf32, #tpu.memory_space<hbm>>
      %dma_start3A_39 = arith.constant 153600 : i32
      %dma_start3A_40 = tpu.memref_slice %arg2[%dma_start3A_39] : memref<204800xf32, #tpu.memory_space<hbm>> -> memref<400xf32, #tpu.memory_space<hbm>>
      tpu.enqueue_dma source(%dma_start3A_40 : memref<400xf32, #tpu.memory_space<hbm>>) target(%arg7 : memref<400xf32, #tpu.memory_space<vmem>>) target_semaphore(%run_scoped3A : memref<!tpu.dma_semaphore, #tpu.memory_space<semaphore_mem>>)
      %dma_wait3A = arith.constant 153600 : i32
      %dma_wait3A_41 = tpu.memref_slice %arg2[%dma_wait3A] : memref<204800xf32, #tpu.memory_space<hbm>> -> memref<400xf32, #tpu.memory_space<hbm>>
      %dma_wait3A_42 = arith.constant 153600 : i32
      %dma_wait3A_43 = tpu.memref_slice %arg2[%dma_wait3A_42] : memref<204800xf32, #tpu.memory_space<hbm>> -> memref<400xf32, #tpu.memory_space<hbm>>
      tpu.wait_dma2 semaphore(%run_scoped3A : memref<!tpu.dma_semaphore, #tpu.memory_space<semaphore_mem>>) src(%dma_wait3A_43 : memref<400xf32, #tpu.memory_space<hbm>>) dst(%arg7 : memref<400xf32, #tpu.memory_space<vmem>>)
      tpu.yield
    }) : () -> ()
    "tpu.region"() ({
      %run_scoped3A = tpu.sem_alloc : memref<!tpu.dma_semaphore, #tpu.memory_space<semaphore_mem>>
      %dma_start3A = arith.constant 154000 : i32
      %dma_start3A_38 = tpu.memref_slice %arg2[%dma_start3A] : memref<204800xf32, #tpu.memory_space<hbm>> -> memref<200xf32, #tpu.memory_space<hbm>>
      %dma_start3A_39 = arith.constant 154000 : i32
      %dma_start3A_40 = tpu.memref_slice %arg2[%dma_start3A_39] : memref<204800xf32, #tpu.memory_space<hbm>> -> memref<200xf32, #tpu.memory_space<hbm>>
      tpu.enqueue_dma source(%dma_start3A_40 : memref<200xf32, #tpu.memory_space<hbm>>) target(%arg8 : memref<200xf32, #tpu.memory_space<vmem>>) target_semaphore(%run_scoped3A : memref<!tpu.dma_semaphore, #tpu.memory_space<semaphore_mem>>)
      %dma_wait3A = arith.constant 154000 : i32
      %dma_wait3A_41 = tpu.memref_slice %arg2[%dma_wait3A] : memref<204800xf32, #tpu.memory_space<hbm>> -> memref<200xf32, #tpu.memory_space<hbm>>
      %dma_wait3A_42 = arith.constant 154000 : i32
      %dma_wait3A_43 = tpu.memref_slice %arg2[%dma_wait3A_42] : memref<204800xf32, #tpu.memory_space<hbm>> -> memref<200xf32, #tpu.memory_space<hbm>>
      tpu.wait_dma2 semaphore(%run_scoped3A : memref<!tpu.dma_semaphore, #tpu.memory_space<semaphore_mem>>) src(%dma_wait3A_43 : memref<200xf32, #tpu.memory_space<hbm>>) dst(%arg8 : memref<200xf32, #tpu.memory_space<vmem>>)
      tpu.yield
    }) : () -> ()
    "tpu.region"() ({
      %run_scoped3A = tpu.sem_alloc : memref<!tpu.dma_semaphore, #tpu.memory_space<semaphore_mem>>
      %dma_start3A = arith.constant 154200 : i32
      %dma_start3A_38 = tpu.memref_slice %arg2[%dma_start3A] : memref<204800xf32, #tpu.memory_space<hbm>> -> memref<32xf32, #tpu.memory_space<hbm>>
      %dma_start3A_39 = arith.constant 154200 : i32
      %dma_start3A_40 = tpu.memref_slice %arg2[%dma_start3A_39] : memref<204800xf32, #tpu.memory_space<hbm>> -> memref<32xf32, #tpu.memory_space<hbm>>
      tpu.enqueue_dma source(%dma_start3A_40 : memref<32xf32, #tpu.memory_space<hbm>>) target(%arg9 : memref<32xf32, #tpu.memory_space<vmem>>) target_semaphore(%run_scoped3A : memref<!tpu.dma_semaphore, #tpu.memory_space<semaphore_mem>>)
      %dma_wait3A = arith.constant 154200 : i32
      %dma_wait3A_41 = tpu.memref_slice %arg2[%dma_wait3A] : memref<204800xf32, #tpu.memory_space<hbm>> -> memref<32xf32, #tpu.memory_space<hbm>>
      %dma_wait3A_42 = arith.constant 154200 : i32
      %dma_wait3A_43 = tpu.memref_slice %arg2[%dma_wait3A_42] : memref<204800xf32, #tpu.memory_space<hbm>> -> memref<32xf32, #tpu.memory_space<hbm>>
      tpu.wait_dma2 semaphore(%run_scoped3A : memref<!tpu.dma_semaphore, #tpu.memory_space<semaphore_mem>>) src(%dma_wait3A_43 : memref<32xf32, #tpu.memory_space<hbm>>) dst(%arg9 : memref<32xf32, #tpu.memory_space<vmem>>)
      tpu.yield
    }) : () -> ()
    "tpu.region"() ({
      %run_scoped3A = tpu.sem_alloc : memref<!tpu.dma_semaphore, #tpu.memory_space<semaphore_mem>>
      %dma_start3A = arith.constant 0 : i32
      %dma_start3A_38 = tpu.memref_slice %arg11[%dma_start3A] : memref<41600xf32, #tpu.memory_space<vmem>> -> memref<3200xf32, #tpu.memory_space<vmem>>
      %dma_start3A_39 = arith.constant 154232 : i32
      %dma_start3A_40 = tpu.memref_slice %arg2[%dma_start3A_39] : memref<204800xf32, #tpu.memory_space<hbm>> -> memref<3200xf32, #tpu.memory_space<hbm>>
      %dma_start3A_41 = arith.constant 0 : i32
      %dma_start3A_42 = tpu.memref_slice %arg11[%dma_start3A_41] : memref<41600xf32, #tpu.memory_space<vmem>> -> memref<3200xf32, #tpu.memory_space<vmem>>
      %dma_start3A_43 = arith.constant 154232 : i32
      %dma_start3A_44 = tpu.memref_slice %arg2[%dma_start3A_43] : memref<204800xf32, #tpu.memory_space<hbm>> -> memref<3200xf32, #tpu.memory_space<hbm>>
      tpu.enqueue_dma source(%dma_start3A_44 : memref<3200xf32, #tpu.memory_space<hbm>>) target(%dma_start3A_42 : memref<3200xf32, #tpu.memory_space<vmem>>) target_semaphore(%run_scoped3A : memref<!tpu.dma_semaphore, #tpu.memory_space<semaphore_mem>>)
      %dma_wait3A = arith.constant 0 : i32
      %dma_wait3A_45 = tpu.memref_slice %arg11[%dma_wait3A] : memref<41600xf32, #tpu.memory_space<vmem>> -> memref<3200xf32, #tpu.memory_space<vmem>>
      %dma_wait3A_46 = arith.constant 154232 : i32
      %dma_wait3A_47 = tpu.memref_slice %arg2[%dma_wait3A_46] : memref<204800xf32, #tpu.memory_space<hbm>> -> memref<3200xf32, #tpu.memory_space<hbm>>
      %dma_wait3A_48 = arith.constant 0 : i32
      %dma_wait3A_49 = tpu.memref_slice %arg11[%dma_wait3A_48] : memref<41600xf32, #tpu.memory_space<vmem>> -> memref<3200xf32, #tpu.memory_space<vmem>>
      %dma_wait3A_50 = arith.constant 154232 : i32
      %dma_wait3A_51 = tpu.memref_slice %arg2[%dma_wait3A_50] : memref<204800xf32, #tpu.memory_space<hbm>> -> memref<3200xf32, #tpu.memory_space<hbm>>
      tpu.wait_dma2 semaphore(%run_scoped3A : memref<!tpu.dma_semaphore, #tpu.memory_space<semaphore_mem>>) src(%dma_wait3A_51 : memref<3200xf32, #tpu.memory_space<hbm>>) dst(%dma_wait3A_49 : memref<3200xf32, #tpu.memory_space<vmem>>)
      tpu.yield
    }) : () -> ()
    %iota3A = tpu.iota {dimensions = array<i32: 0>} : vector<16xi32>
    %broadcast_in_dim3A = arith.constant 1.000000e+00 : f32
    %broadcast_in_dim3A_7 = vector.broadcast %broadcast_in_dim3A : f32 to vector<16xf32>
    %and3A = arith.constant 7 : i32
    %and3A_8 = vector.broadcast %and3A : i32 to vector<16xi32>
    %and3A_9 = arith.andi %iota3A, %and3A_8 : vector<16xi32>
    %shift_right_arithmetic3A = arith.constant 3 : i32
    %shift_right_arithmetic3A_10 = vector.broadcast %shift_right_arithmetic3A : i32 to vector<16xi32>
    %shift_right_arithmetic3A_11 = arith.shrsi %iota3A, %shift_right_arithmetic3A_10 : vector<16xi32>
    %mul3A_12 = arith.constant 200 : i32
    %mul3A_13 = vector.broadcast %mul3A_12 : i32 to vector<16xi32>
    %mul3A_14 = arith.muli %and3A_9, %mul3A_13 : vector<16xi32>
    %xor3A = arith.constant 8 : i32
    %xor3A_15 = vector.broadcast %xor3A : i32 to vector<16xi32>
    %xor3A_16 = arith.xori %iota3A, %xor3A_15 : vector<16xi32>
    %lt3A = arith.constant 8 : i32
    %lt3A_17 = vector.broadcast %lt3A : i32 to vector<16xi32>
    %lt3A_18 = arith.cmpi slt, %iota3A, %lt3A_17 : vector<16xi32>
    %scan3A = arith.constant 0 : i32
    %scan3A_19 = arith.constant 0 : i32
    %scan3A_20 = arith.constant 13 : i32
    %scan3A_21 = arith.addi %scan3A_19, %scan3A_20 : i32
    %scan3A_22 = arith.constant 1 : i32
    scf.for %scan3A_38 = %scan3A_19 to %scan3A_21 step %scan3A_22  : i32 {
      %broadcast_in_dim3A_39 = vector.broadcast %scan3A_38 : i32 to vector<16xi32>
      %eq3A = arith.constant 12 : i32
      %eq3A_40 = vector.broadcast %eq3A : i32 to vector<16xi32>
      %eq3A_41 = arith.cmpi eq, %broadcast_in_dim3A_39, %eq3A_40 : vector<16xi32>
      %eq3A_42 = arith.constant 1 : i32
      %eq3A_43 = vector.broadcast %eq3A_42 : i32 to vector<16xi32>
      %eq3A_44 = arith.cmpi eq, %shift_right_arithmetic3A_11, %eq3A_43 : vector<16xi32>
      %and3A_45 = arith.andi %eq3A_41, %eq3A_44 : vector<16xi1>
      %jit3A = arith.constant 0.000000e+00 : f32
      %jit3A_46 = arith.constant 1.000000e+00 : f32
      %broadcast_in_dim3A_47 = vector.broadcast %jit3A : f32 to vector<16xf32>
      %broadcast_in_dim3A_48 = vector.broadcast %jit3A_46 : f32 to vector<16xf32>
      %select_n3A = arith.select %and3A_45, %broadcast_in_dim3A_47, %broadcast_in_dim3A_48 : vector<16xi1>, vector<16xf32>
      %mul3A_49 = arith.constant 16 : i32
      %mul3A_50 = arith.muli %scan3A_38, %mul3A_49 : i32
      %swap3A = arith.index_cast %mul3A_50 : i32 to index
      %swap3A_51 = tpu.vector_load %arg12[%swap3A] {strides = array<i32>} : memref<208xf32, #tpu.memory_space<vmem>>, vector<16xf32>,
      tpu.vector_store %arg12[%swap3A], %select_n3A {strides = array<i32>} : memref<208xf32, #tpu.memory_space<vmem>>, vector<16xf32>,
      %mul3A_52 = arith.constant 13 : i32
      %mul3A_53 = vector.broadcast %mul3A_52 : i32 to vector<16xi32>
      %mul3A_54 = arith.muli %shift_right_arithmetic3A_11, %mul3A_53 : vector<16xi32>
      %add3A_55 = arith.addi %mul3A_54, %broadcast_in_dim3A_39 : vector<16xi32>
      %gather3A = tpu.vector_load_idx %arg9[%add3A_55] : memref<32xf32, #tpu.memory_space<vmem>>[vector<16xi32>], vector<16xf32>,
      %mul3A_56 = arith.constant 16 : i32
      %mul3A_57 = arith.muli %scan3A_38, %mul3A_56 : i32
      %swap3A_58 = arith.index_cast %mul3A_57 : i32 to index
      %swap3A_59 = tpu.vector_load %arg10[%swap3A_58] {strides = array<i32>} : memref<208xf32, #tpu.memory_space<vmem>>, vector<16xf32>,
      tpu.vector_store %arg10[%swap3A_58], %gather3A {strides = array<i32>} : memref<208xf32, #tpu.memory_space<vmem>>, vector<16xf32>,
    }
    %scan3A_23 = arith.constant 13 : i32
    %scan3A_24 = arith.constant 0 : i32
    %scan3A_25 = arith.constant 0 : i32
    %scan3A_26 = arith.constant 200 : i32
    %scan3A_27 = arith.addi %scan3A_25, %scan3A_26 : i32
    %scan3A_28 = arith.constant 1 : i32
    scf.for %scan3A_38 = %scan3A_25 to %scan3A_27 step %scan3A_28  : i32 {
      %mul3A_39 = arith.constant 16 : i32
      %mul3A_40 = arith.muli %scan3A_38, %mul3A_39 : i32
      %get3A = arith.index_cast %mul3A_40 : i32 to index
      %get3A_41 = tpu.vector_load %arg11[%get3A] {strides = array<i32>} : memref<41600xf32, #tpu.memory_space<vmem>>, vector<16xf32>,
      %mul3A_42 = arith.constant 16 : i32
      %mul3A_43 = arith.muli %scan3A_38, %mul3A_42 : i32
      %add3A_44 = arith.constant 3200 : i32
      %add3A_45 = arith.addi %add3A_44, %mul3A_43 : i32
      %swap3A = arith.index_cast %add3A_45 : i32 to index
      %swap3A_46 = tpu.vector_load %arg11[%swap3A] {strides = array<i32>} : memref<41600xf32, #tpu.memory_space<vmem>>, vector<16xf32>,
      tpu.vector_store %arg11[%swap3A], %get3A_41 {strides = array<i32>} : memref<41600xf32, #tpu.memory_space<vmem>>, vector<16xf32>,
      %mul3A_47 = arith.constant 16 : i32
      %mul3A_48 = arith.muli %scan3A_38, %mul3A_47 : i32
      %add3A_49 = arith.constant 6400 : i32
      %add3A_50 = arith.addi %add3A_49, %mul3A_48 : i32
      %swap3A_51 = arith.index_cast %add3A_50 : i32 to index
      %swap3A_52 = tpu.vector_load %arg11[%swap3A_51] {strides = array<i32>} : memref<41600xf32, #tpu.memory_space<vmem>>, vector<16xf32>,
      tpu.vector_store %arg11[%swap3A_51], %get3A_41 {strides = array<i32>} : memref<41600xf32, #tpu.memory_space<vmem>>, vector<16xf32>,
      %mul3A_53 = arith.constant 16 : i32
      %mul3A_54 = arith.muli %scan3A_38, %mul3A_53 : i32
      %add3A_55 = arith.constant 9600 : i32
      %add3A_56 = arith.addi %add3A_55, %mul3A_54 : i32
      %swap3A_57 = arith.index_cast %add3A_56 : i32 to index
      %swap3A_58 = tpu.vector_load %arg11[%swap3A_57] {strides = array<i32>} : memref<41600xf32, #tpu.memory_space<vmem>>, vector<16xf32>,
      tpu.vector_store %arg11[%swap3A_57], %get3A_41 {strides = array<i32>} : memref<41600xf32, #tpu.memory_space<vmem>>, vector<16xf32>,
      %mul3A_59 = arith.constant 16 : i32
      %mul3A_60 = arith.muli %scan3A_38, %mul3A_59 : i32
      %add3A_61 = arith.constant 12800 : i32
      %add3A_62 = arith.addi %add3A_61, %mul3A_60 : i32
      %swap3A_63 = arith.index_cast %add3A_62 : i32 to index
      %swap3A_64 = tpu.vector_load %arg11[%swap3A_63] {strides = array<i32>} : memref<41600xf32, #tpu.memory_space<vmem>>, vector<16xf32>,
      tpu.vector_store %arg11[%swap3A_63], %get3A_41 {strides = array<i32>} : memref<41600xf32, #tpu.memory_space<vmem>>, vector<16xf32>,
      %mul3A_65 = arith.constant 16 : i32
      %mul3A_66 = arith.muli %scan3A_38, %mul3A_65 : i32
      %add3A_67 = arith.constant 16000 : i32
      %add3A_68 = arith.addi %add3A_67, %mul3A_66 : i32
      %swap3A_69 = arith.index_cast %add3A_68 : i32 to index
      %swap3A_70 = tpu.vector_load %arg11[%swap3A_69] {strides = array<i32>} : memref<41600xf32, #tpu.memory_space<vmem>>, vector<16xf32>,
      tpu.vector_store %arg11[%swap3A_69], %get3A_41 {strides = array<i32>} : memref<41600xf32, #tpu.memory_space<vmem>>, vector<16xf32>,
      %mul3A_71 = arith.constant 16 : i32
      %mul3A_72 = arith.muli %scan3A_38, %mul3A_71 : i32
      %add3A_73 = arith.constant 19200 : i32
      %add3A_74 = arith.addi %add3A_73, %mul3A_72 : i32
      %swap3A_75 = arith.index_cast %add3A_74 : i32 to index
      %swap3A_76 = tpu.vector_load %arg11[%swap3A_75] {strides = array<i32>} : memref<41600xf32, #tpu.memory_space<vmem>>, vector<16xf32>,
      tpu.vector_store %arg11[%swap3A_75], %get3A_41 {strides = array<i32>} : memref<41600xf32, #tpu.memory_space<vmem>>, vector<16xf32>,
      %mul3A_77 = arith.constant 16 : i32
      %mul3A_78 = arith.muli %scan3A_38, %mul3A_77 : i32
      %add3A_79 = arith.constant 22400 : i32
      %add3A_80 = arith.addi %add3A_79, %mul3A_78 : i32
      %swap3A_81 = arith.index_cast %add3A_80 : i32 to index
      %swap3A_82 = tpu.vector_load %arg11[%swap3A_81] {strides = array<i32>} : memref<41600xf32, #tpu.memory_space<vmem>>, vector<16xf32>,
      tpu.vector_store %arg11[%swap3A_81], %get3A_41 {strides = array<i32>} : memref<41600xf32, #tpu.memory_space<vmem>>, vector<16xf32>,
      %mul3A_83 = arith.constant 16 : i32
      %mul3A_84 = arith.muli %scan3A_38, %mul3A_83 : i32
      %add3A_85 = arith.constant 25600 : i32
      %add3A_86 = arith.addi %add3A_85, %mul3A_84 : i32
      %swap3A_87 = arith.index_cast %add3A_86 : i32 to index
      %swap3A_88 = tpu.vector_load %arg11[%swap3A_87] {strides = array<i32>} : memref<41600xf32, #tpu.memory_space<vmem>>, vector<16xf32>,
      tpu.vector_store %arg11[%swap3A_87], %get3A_41 {strides = array<i32>} : memref<41600xf32, #tpu.memory_space<vmem>>, vector<16xf32>,
      %mul3A_89 = arith.constant 16 : i32
      %mul3A_90 = arith.muli %scan3A_38, %mul3A_89 : i32
      %add3A_91 = arith.constant 28800 : i32
      %add3A_92 = arith.addi %add3A_91, %mul3A_90 : i32
      %swap3A_93 = arith.index_cast %add3A_92 : i32 to index
      %swap3A_94 = tpu.vector_load %arg11[%swap3A_93] {strides = array<i32>} : memref<41600xf32, #tpu.memory_space<vmem>>, vector<16xf32>,
      tpu.vector_store %arg11[%swap3A_93], %get3A_41 {strides = array<i32>} : memref<41600xf32, #tpu.memory_space<vmem>>, vector<16xf32>,
      %mul3A_95 = arith.constant 16 : i32
      %mul3A_96 = arith.muli %scan3A_38, %mul3A_95 : i32
      %add3A_97 = arith.constant 32000 : i32
      %add3A_98 = arith.addi %add3A_97, %mul3A_96 : i32
      %swap3A_99 = arith.index_cast %add3A_98 : i32 to index
      %swap3A_100 = tpu.vector_load %arg11[%swap3A_99] {strides = array<i32>} : memref<41600xf32, #tpu.memory_space<vmem>>, vector<16xf32>,
      tpu.vector_store %arg11[%swap3A_99], %get3A_41 {strides = array<i32>} : memref<41600xf32, #tpu.memory_space<vmem>>, vector<16xf32>,
      %mul3A_101 = arith.constant 16 : i32
      %mul3A_102 = arith.muli %scan3A_38, %mul3A_101 : i32
      %add3A_103 = arith.constant 35200 : i32
      %add3A_104 = arith.addi %add3A_103, %mul3A_102 : i32
      %swap3A_105 = arith.index_cast %add3A_104 : i32 to index
      %swap3A_106 = tpu.vector_load %arg11[%swap3A_105] {strides = array<i32>} : memref<41600xf32, #tpu.memory_space<vmem>>, vector<16xf32>,
      tpu.vector_store %arg11[%swap3A_105], %get3A_41 {strides = array<i32>} : memref<41600xf32, #tpu.memory_space<vmem>>, vector<16xf32>,
      %mul3A_107 = arith.constant 16 : i32
      %mul3A_108 = arith.muli %scan3A_38, %mul3A_107 : i32
      %add3A_109 = arith.constant 38400 : i32
      %add3A_110 = arith.addi %add3A_109, %mul3A_108 : i32
      %swap3A_111 = arith.index_cast %add3A_110 : i32 to index
      %swap3A_112 = tpu.vector_load %arg11[%swap3A_111] {strides = array<i32>} : memref<41600xf32, #tpu.memory_space<vmem>>, vector<16xf32>,
      tpu.vector_store %arg11[%swap3A_111], %get3A_41 {strides = array<i32>} : memref<41600xf32, #tpu.memory_space<vmem>>, vector<16xf32>,
    }
    %scan3A_29 = arith.constant 200 : i32
    %scan3A_30 = arith.constant 0 : i32
    %scan3A_31 = arith.constant 200 : i32
    %scan3A_32 = arith.addi %scan3A_30, %scan3A_31 : i32
    %scan3A_33 = arith.constant 1 : i32
    %scan3A_34 = scf.for %scan3A_38 = %scan3A_30 to %scan3A_32 step %scan3A_33 iter_args(%scan3A_39 = %broadcast_in_dim3A_7) -> (vector<16xf32>)  : i32 {
      %add3A_40 = vector.broadcast %scan3A_38 : i32 to vector<16xi32>
      %add3A_41 = arith.addi %mul3A_14, %add3A_40 : vector<16xi32>
      %gather3A = tpu.vector_load_idx %arg4[%add3A_41] : memref<1600xf32, #tpu.memory_space<vmem>>[vector<16xi32>], vector<16xf32>,
      %convert_element_type3A = arith.fptosi %gather3A : vector<16xf32> to vector<16xi32>
      %and3A_42 = arith.constant 255 : i32
      %and3A_43 = vector.broadcast %and3A_42 : i32 to vector<16xi32>
      %and3A_44 = arith.andi %convert_element_type3A, %and3A_43 : vector<16xi32>
      %shift_right_arithmetic3A_45 = arith.constant 8 : i32
      %shift_right_arithmetic3A_46 = vector.broadcast %shift_right_arithmetic3A_45 : i32 to vector<16xi32>
      %shift_right_arithmetic3A_47 = arith.shrsi %convert_element_type3A, %shift_right_arithmetic3A_46 : vector<16xi32>
      %eq3A = arith.constant 1 : i32
      %eq3A_48 = vector.broadcast %eq3A : i32 to vector<16xi32>
      %eq3A_49 = arith.cmpi eq, %shift_right_arithmetic3A_47, %eq3A_48 : vector<16xi32>
      %add3A_50 = vector.broadcast %scan3A_38 : i32 to vector<16xi32>
      %add3A_51 = arith.addi %mul3A_14, %add3A_50 : vector<16xi32>
      %gather3A_52 = tpu.vector_load_idx %arg5[%add3A_51] : memref<1600xf32, #tpu.memory_space<vmem>>[vector<16xi32>], vector<16xf32>,
      %add3A_53 = vector.broadcast %scan3A_38 : i32 to vector<16xi32>
      %add3A_54 = arith.addi %mul3A_14, %add3A_53 : vector<16xi32>
      %gather3A_55 = tpu.vector_load_idx %arg6[%add3A_54] : memref<1600xf32, #tpu.memory_space<vmem>>[vector<16xi32>], vector<16xf32>,
      %mul3A_56 = arith.constant 4 : i32
      %mul3A_57 = vector.broadcast %mul3A_56 : i32 to vector<16xi32>
      %mul3A_58 = arith.muli %and3A_44, %mul3A_57 : vector<16xi32>
      %gather3A_59 = tpu.vector_load_idx %arg7[%mul3A_58] : memref<400xf32, #tpu.memory_space<vmem>>[vector<16xi32>], vector<16xf32>,
      %add3A_60 = arith.constant 1 : i32
      %add3A_61 = vector.broadcast %add3A_60 : i32 to vector<16xi32>
      %add3A_62 = arith.addi %mul3A_58, %add3A_61 : vector<16xi32>
      %gather3A_63 = tpu.vector_load_idx %arg7[%add3A_62] : memref<400xf32, #tpu.memory_space<vmem>>[vector<16xi32>], vector<16xf32>,
      %mul3A_64 = arith.constant 2 : i32
      %mul3A_65 = vector.broadcast %mul3A_64 : i32 to vector<16xi32>
      %mul3A_66 = arith.muli %and3A_44, %mul3A_65 : vector<16xi32>
      %gather3A_67 = tpu.vector_load_idx %arg8[%mul3A_66] : memref<200xf32, #tpu.memory_space<vmem>>[vector<16xi32>], vector<16xf32>,
      %mul3A_68 = arith.constant 2 : i32
      %mul3A_69 = vector.broadcast %mul3A_68 : i32 to vector<16xi32>
      %mul3A_70 = arith.muli %and3A_44, %mul3A_69 : vector<16xi32>
      %add3A_71 = arith.constant 1 : i32
      %add3A_72 = vector.broadcast %add3A_71 : i32 to vector<16xi32>
      %add3A_73 = arith.addi %mul3A_70, %add3A_72 : vector<16xi32>
      %gather3A_74 = tpu.vector_load_idx %arg8[%add3A_73] : memref<200xf32, #tpu.memory_space<vmem>>[vector<16xi32>], vector<16xf32>,
      %add3A_75 = arith.addf %gather3A_67, %gather3A_52 : vector<16xf32>
      %exp3A = math.exp %add3A_75 : vector<16xf32>
      %add3A_76 = arith.addf %gather3A_74, %gather3A_55 : vector<16xf32>
      %exp3A_77 = math.exp %add3A_76 : vector<16xf32>
      %mul3A_78 = arith.constant 32 : i32
      %mul3A_79 = vector.broadcast %mul3A_78 : i32 to vector<16xi32>
      %mul3A_80 = arith.muli %and3A_44, %mul3A_79 : vector<16xi32>
      %add3A_81 = arith.addi %mul3A_80, %iota3A : vector<16xi32>
      %broadcast_in_dim3A_82 = arith.constant 0.000000e+00 : f32
      %broadcast_in_dim3A_83 = vector.broadcast %broadcast_in_dim3A_82 : f32 to vector<16xf32>
      %scan3A_84 = arith.constant 0 : i32
      %scan3A_85 = arith.constant 13 : i32
      %scan3A_86 = arith.addi %scan3A_84, %scan3A_85 : i32
      %scan3A_87 = arith.constant 1 : i32
      %scan3A_88:3 = scf.for %scan3A_108 = %scan3A_84 to %scan3A_86 step %scan3A_87 iter_args(%scan3A_109 = %broadcast_in_dim3A_83, %scan3A_110 = %broadcast_in_dim3A_83, %scan3A_111 = %broadcast_in_dim3A_83) -> (vector<16xf32>, vector<16xf32>, vector<16xf32>)  : i32 {
        %mul3A_112 = arith.constant 3200 : i32
        %mul3A_113 = arith.muli %scan3A_108, %mul3A_112 : i32
        %add3A_114 = vector.broadcast %mul3A_113 : i32 to vector<16xi32>
        %add3A_115 = arith.addi %add3A_81, %add3A_114 : vector<16xi32>
        %add3A_116 = arith.constant 16 : i32
        %add3A_117 = vector.broadcast %add3A_116 : i32 to vector<16xi32>
        %add3A_118 = arith.addi %add3A_115, %add3A_117 : vector<16xi32>
        %gather3A_119 = tpu.vector_load_idx %arg11[%add3A_115] : memref<41600xf32, #tpu.memory_space<vmem>>[vector<16xi32>], vector<16xf32>,
        %gather3A_120 = tpu.vector_load_idx %arg11[%add3A_118] : memref<41600xf32, #tpu.memory_space<vmem>>[vector<16xi32>], vector<16xf32>,
        %mul3A_121 = arith.constant 16 : i32
        %mul3A_122 = arith.muli %scan3A_108, %mul3A_121 : i32
        %get3A = arith.index_cast %mul3A_122 : i32 to index
        %get3A_123 = tpu.vector_load %arg10[%get3A] {strides = array<i32>} : memref<208xf32, #tpu.memory_space<vmem>>, vector<16xf32>,
        %mul3A_124 = arith.mulf %exp3A, %get3A_123 : vector<16xf32>
        %mul3A_125 = arith.mulf %exp3A_77, %get3A_123 : vector<16xf32>
        %add3A_126 = arith.addf %broadcast_in_dim3A_7, %mul3A_124 : vector<16xf32>
        %div3A_127 = arith.divf %broadcast_in_dim3A_7, %add3A_126 : vector<16xf32>
        %add3A_128 = arith.addf %broadcast_in_dim3A_7, %mul3A_125 : vector<16xf32>
        %div3A_129 = arith.divf %broadcast_in_dim3A_7, %add3A_128 : vector<16xf32>
        %mul3A_130 = arith.mulf %div3A_127, %gather3A_119 : vector<16xf32>
        %mul3A_131 = arith.mulf %div3A_129, %gather3A_120 : vector<16xf32>
        %add3A_132 = arith.addf %mul3A_130, %mul3A_131 : vector<16xf32>
        %mul3A_133 = arith.mulf %mul3A_130, %mul3A_124 : vector<16xf32>
        %mul3A_134 = arith.mulf %mul3A_131, %mul3A_125 : vector<16xf32>
        %add3A_135 = arith.addf %mul3A_133, %mul3A_134 : vector<16xf32>
        %add3A_136 = arith.addf %add3A_132, %add3A_135 : vector<16xf32>
        %div3A_137 = arith.divf %broadcast_in_dim3A_7, %add3A_136 : vector<16xf32>
        %mul3A_138 = arith.mulf %add3A_132, %div3A_137 : vector<16xf32>
        %mul3A_139 = arith.mulf %add3A_135, %div3A_137 : vector<16xf32>
        %select_n3A = arith.select %eq3A_49, %mul3A_124, %broadcast_in_dim3A_7 : vector<16xi1>, vector<16xf32>
        %mul3A_140 = arith.mulf %select_n3A, %mul3A_130 : vector<16xf32>
        %select_n3A_141 = arith.select %eq3A_49, %mul3A_125, %broadcast_in_dim3A_7 : vector<16xi1>, vector<16xf32>
        %mul3A_142 = arith.mulf %select_n3A_141, %mul3A_131 : vector<16xf32>
        %add3A_143 = arith.addf %mul3A_140, %mul3A_142 : vector<16xf32>
        %mul3A_144 = arith.mulf %gather3A_59, %mul3A_140 : vector<16xf32>
        %mul3A_145 = arith.mulf %gather3A_63, %mul3A_142 : vector<16xf32>
        %add3A_146 = arith.addf %mul3A_144, %mul3A_145 : vector<16xf32>
        %sub3A = arith.subf %add3A_143, %add3A_146 : vector<16xf32>
        %div3A_147 = arith.divf %broadcast_in_dim3A_7, %add3A_143 : vector<16xf32>
        %mul3A_148 = arith.mulf %add3A_146, %div3A_147 : vector<16xf32>
        tpu.vector_store_idx %arg11[%add3A_115], %mul3A_148 : memref<41600xf32, #tpu.memory_space<vmem>>[vector<16xi32>], vector<16xf32>,
        %mul3A_149 = arith.mulf %sub3A, %div3A_147 : vector<16xf32>
        tpu.vector_store_idx %arg11[%add3A_118], %mul3A_149 : memref<41600xf32, #tpu.memory_space<vmem>>[vector<16xi32>], vector<16xf32>,
        %mul3A_150 = arith.constant 16 : i32
        %mul3A_151 = arith.muli %scan3A_108, %mul3A_150 : i32
        %get3A_152 = arith.index_cast %mul3A_151 : i32 to index
        %get3A_153 = tpu.vector_load %arg12[%get3A_152] {strides = array<i32>} : memref<208xf32, #tpu.memory_space<vmem>>, vector<16xf32>,
        %mul3A_154 = arith.mulf %get3A_153, %scan3A_39 : vector<16xf32>
        %mul3A_155 = arith.mulf %mul3A_154, %mul3A_138 : vector<16xf32>
        %add3A_156 = arith.addf %scan3A_109, %mul3A_155 : vector<16xf32>
        %mul3A_157 = arith.mulf %mul3A_154, %mul3A_139 : vector<16xf32>
        %add3A_158 = arith.addf %scan3A_110, %mul3A_157 : vector<16xf32>
        %select_n3A_159 = arith.select %eq3A_49, %mul3A_139, %mul3A_138 : vector<16xi1>, vector<16xf32>
        %mul3A_160 = arith.mulf %mul3A_154, %select_n3A_159 : vector<16xf32>
        %mul3A_161 = arith.constant 16 : i32
        %mul3A_162 = arith.muli %scan3A_108, %mul3A_161 : i32
        %swap3A_163 = arith.index_cast %mul3A_162 : i32 to index
        %swap3A_164 = tpu.vector_load %arg12[%swap3A_163] {strides = array<i32>} : memref<208xf32, #tpu.memory_space<vmem>>, vector<16xf32>,
        tpu.vector_store %arg12[%swap3A_163], %mul3A_160 {strides = array<i32>} : memref<208xf32, #tpu.memory_space<vmem>>, vector<16xf32>,
        %add3A_165 = arith.addf %scan3A_111, %mul3A_160 : vector<16xf32>
        scf.yield %add3A_156, %add3A_158, %add3A_165 : vector<16xf32>, vector<16xf32>, vector<16xf32>
      }
      %scan3A_89 = arith.constant 13 : i32
      %swap3A = arith.constant 0 : index
      %swap3A_90 = tpu.vector_load %arg13[%swap3A] {strides = array<i32>} : memref<16xf32, #tpu.memory_space<vmem>>, vector<16xf32>,
      tpu.vector_store %arg13[%swap3A], %scan3A_88#0 {strides = array<i32>} : memref<16xf32, #tpu.memory_space<vmem>>, vector<16xf32>,
      %gather3A_91 = tpu.vector_load_idx %arg13[%xor3A_16] : memref<16xf32, #tpu.memory_space<vmem>>[vector<16xi32>], vector<16xf32>,
      %add3A_92 = arith.addf %scan3A_88#0, %gather3A_91 : vector<16xf32>
      %swap3A_93 = arith.constant 0 : index
      %swap3A_94 = tpu.vector_load %arg13[%swap3A_93] {strides = array<i32>} : memref<16xf32, #tpu.memory_space<vmem>>, vector<16xf32>,
      tpu.vector_store %arg13[%swap3A_93], %scan3A_88#1 {strides = array<i32>} : memref<16xf32, #tpu.memory_space<vmem>>, vector<16xf32>,
      %gather3A_95 = tpu.vector_load_idx %arg13[%xor3A_16] : memref<16xf32, #tpu.memory_space<vmem>>[vector<16xi32>], vector<16xf32>,
      %add3A_96 = arith.addf %scan3A_88#1, %gather3A_95 : vector<16xf32>
      %swap3A_97 = arith.constant 0 : index
      %swap3A_98 = tpu.vector_load %arg13[%swap3A_97] {strides = array<i32>} : memref<16xf32, #tpu.memory_space<vmem>>, vector<16xf32>,
      tpu.vector_store %arg13[%swap3A_97], %scan3A_88#2 {strides = array<i32>} : memref<16xf32, #tpu.memory_space<vmem>>, vector<16xf32>,
      %gather3A_99 = tpu.vector_load_idx %arg13[%xor3A_16] : memref<16xf32, #tpu.memory_space<vmem>>[vector<16xi32>], vector<16xf32>,
      %add3A_100 = arith.addf %scan3A_88#2, %gather3A_99 : vector<16xf32>
      %add3A_101 = vector.broadcast %scan3A_38 : i32 to vector<16xi32>
      %add3A_102 = arith.addi %mul3A_14, %add3A_101 : vector<16xi32>
      tpu.vector_store_idx %arg14[%add3A_102], %add3A_92 masked %lt3A_18 : memref<3200xf32, #tpu.memory_space<vmem>>[vector<16xi32>], vector<16xf32>, vector<16xi1>
      %add3A_103 = arith.constant 1600 : i32
      %add3A_104 = vector.broadcast %add3A_103 : i32 to vector<16xi32>
      %add3A_105 = arith.addi %add3A_104, %mul3A_14 : vector<16xi32>
      %add3A_106 = vector.broadcast %scan3A_38 : i32 to vector<16xi32>
      %add3A_107 = arith.addi %add3A_105, %add3A_106 : vector<16xi32>
      tpu.vector_store_idx %arg14[%add3A_107], %add3A_96 masked %lt3A_18 : memref<3200xf32, #tpu.memory_space<vmem>>[vector<16xi32>], vector<16xf32>, vector<16xi1>
      %div3A = arith.divf %broadcast_in_dim3A_7, %add3A_100 : vector<16xf32>
      scf.yield %div3A : vector<16xf32>
    }
    %scan3A_35 = arith.constant 200 : i32
    %mul3A_36 = arith.constant 3200 : i32
    %mul3A_37 = arith.muli %add3A, %mul3A_36 : i32
    "tpu.region"() ({
      %run_scoped3A = tpu.sem_alloc : memref<!tpu.dma_semaphore, #tpu.memory_space<semaphore_mem>>
      %dma_start3A = tpu.memref_slice %arg3[%mul3A_37] : memref<102400xf32, #tpu.memory_space<hbm>> -> memref<3200xf32, #tpu.memory_space<hbm>>
      %dma_start3A_38 = tpu.memref_slice %arg3[%mul3A_37] : memref<102400xf32, #tpu.memory_space<hbm>> -> memref<3200xf32, #tpu.memory_space<hbm>>
      tpu.enqueue_dma source(%arg14 : memref<3200xf32, #tpu.memory_space<vmem>>) target(%dma_start3A_38 : memref<3200xf32, #tpu.memory_space<hbm>>) target_semaphore(%run_scoped3A : memref<!tpu.dma_semaphore, #tpu.memory_space<semaphore_mem>>)
      %dma_wait3A = tpu.memref_slice %arg3[%mul3A_37] : memref<102400xf32, #tpu.memory_space<hbm>> -> memref<3200xf32, #tpu.memory_space<hbm>>
      %dma_wait3A_39 = tpu.memref_slice %arg3[%mul3A_37] : memref<102400xf32, #tpu.memory_space<hbm>> -> memref<3200xf32, #tpu.memory_space<hbm>>
      tpu.wait_dma2 semaphore(%run_scoped3A : memref<!tpu.dma_semaphore, #tpu.memory_space<semaphore_mem>>) src(%arg14 : memref<3200xf32, #tpu.memory_space<vmem>>) dst(%dma_wait3A_39 : memref<3200xf32, #tpu.memory_space<hbm>>)
      tpu.yield
    }) : () -> ()
    return
  }
}

module attributes {stable_mosaic.version = 14 : i64} {
  func.func @_olf_body(%arg0: i32, %arg1: memref<2048x200xf32, #tpu.memory_space<vmem>>, %arg2: memref<2x200xf32, #tpu.memory_space<vmem>>, %arg3: memref<2048xf32, #tpu.memory_space<vmem>>, %arg4: memref<2048xf32, #tpu.memory_space<vmem>>, %arg5: memref<4x2048xf32, #tpu.memory_space<vmem>>) attributes {dimension_semantics = [#tpu.dimension_semantics<arbitrary>], iteration_bounds = array<i64: 25>, scalar_prefetch = 0 : i64, scratch_operands = 0 : i64, tpu.core_type = #tpu.core_type<tc>, window_params = [{transform_indices = @transform_0, window_bounds = array<i64: 2048, 200>}, {pipeline_mode = #tpu.pipeline_mode<synchronous>, transform_indices = @transform_1, window_bounds = array<i64: 2, 200>}, {transform_indices = @transform_2, window_bounds = array<i64: 2048>}, {transform_indices = @transform_3, window_bounds = array<i64: 2048>}, {transform_indices = @transform_4, window_bounds = array<i64: 4, 2048>}]} {
    %get3A = arith.constant 0 : index
    %get3A_0 = arith.constant 0 : index
    %get3A_1 = vector.load %arg2[%get3A, %get3A_0] : memref<2x200xf32, #tpu.memory_space<vmem>>, vector<2x200xf32>
    %get3A_2 = arith.constant 0 : index
    %get3A_3 = arith.constant 0 : index
    %get3A_4 = vector.load %arg1[%get3A_2, %get3A_3] : memref<2048x200xf32, #tpu.memory_space<vmem>>, vector<2048x200xf32>
    %dot_general3A = arith.constant dense<0.000000e+00> : vector<2x2048xf32>
    %dot_general3A_5 = tpu.matmul %get3A_1, %get3A_4, %dot_general3A {dimension_numbers = #tpu.dot_dimension_numbers<[1], [1], [0], [0], [0, 0, 1, 0], [], []>, transpose_lhs_hint = false} : vector<2x200xf32>, vector<2048x200xf32>, vector<2x2048xf32> -> vector<2x2048xf32>
    %swap3A = arith.constant 0 : index
    %swap3A_6 = arith.constant 0 : index
    %swap3A_7 = vector.load %arg5[%swap3A, %swap3A_6] : memref<4x2048xf32, #tpu.memory_space<vmem>>, vector<2x2048xf32>
    tpu.vector_store %arg5[%swap3A, %swap3A_6], %dot_general3A_5 {strides = array<i32>} : memref<4x2048xf32, #tpu.memory_space<vmem>>, vector<2x2048xf32>,
    %get3A_8 = arith.constant 0 : index
    %get3A_9 = vector.load %arg3[%get3A_8] : memref<2048xf32, #tpu.memory_space<vmem>>, vector<2048xf32>
    %swap3A_10 = arith.constant 2 : index
    %swap3A_11 = arith.constant 0 : index
    %swap3A_12 = vector.load %arg5[%swap3A_10, %swap3A_11] : memref<4x2048xf32, #tpu.memory_space<vmem>>, vector<1x2048xf32>
    %swap3A_13 = vector.shape_cast %swap3A_12 : vector<1x2048xf32> to vector<2048xf32>
    %swap3A_14 = vector.shape_cast %get3A_9 : vector<2048xf32> to vector<1x2048xf32>
    tpu.vector_store %arg5[%swap3A_10, %swap3A_11], %swap3A_14 {strides = array<i32>} : memref<4x2048xf32, #tpu.memory_space<vmem>>, vector<1x2048xf32>,
    %get3A_15 = arith.constant 0 : index
    %get3A_16 = vector.load %arg4[%get3A_15] : memref<2048xf32, #tpu.memory_space<vmem>>, vector<2048xf32>
    %swap3A_17 = arith.constant 3 : index
    %swap3A_18 = arith.constant 0 : index
    %swap3A_19 = vector.load %arg5[%swap3A_17, %swap3A_18] : memref<4x2048xf32, #tpu.memory_space<vmem>>, vector<1x2048xf32>
    %swap3A_20 = vector.shape_cast %swap3A_19 : vector<1x2048xf32> to vector<2048xf32>
    %swap3A_21 = vector.shape_cast %get3A_16 : vector<2048xf32> to vector<1x2048xf32>
    tpu.vector_store %arg5[%swap3A_17, %swap3A_18], %swap3A_21 {strides = array<i32>} : memref<4x2048xf32, #tpu.memory_space<vmem>>, vector<1x2048xf32>,
    return
  }
  func.func @transform_0(%arg0: i32) -> (i32, i32) {
    %c0_i32 = arith.constant 0 : i32
    %c0_i32_0 = arith.constant 0 : i32
    return %arg0, %c0_i32 : i32, i32
  }
  func.func @transform_1(%arg0: i32) -> (i32, i32) {
    %c0_i32 = arith.constant 0 : i32
    %c0_i32_0 = arith.constant 0 : i32
    %c0_i32_1 = arith.constant 0 : i32
    return %c0_i32, %c0_i32_0 : i32, i32
  }
  func.func @transform_2(%arg0: i32) -> i32 {
    %c0_i32 = arith.constant 0 : i32
    return %arg0 : i32
  }
  func.func @transform_3(%arg0: i32) -> i32 {
    %c0_i32 = arith.constant 0 : i32
    return %arg0 : i32
  }
  func.func @transform_4(%arg0: i32) -> (i32, i32) {
    %c0_i32 = arith.constant 0 : i32
    %c0_i32_0 = arith.constant 0 : i32
    return %c0_i32, %arg0 : i32, i32
  }
}

module attributes {stable_mosaic.version = 14 : i64} {
  func.func @_log_body(%arg0: i32, %arg1: memref<4x2x8x200xf32, #tpu.memory_space<vmem>>, %arg2: memref<4x2x8x200xf32, #tpu.memory_space<vmem>>, %arg3: memref<32x200xf32, #tpu.memory_space<vmem>>, %arg4: memref<32x200xf32, #tpu.memory_space<vmem>>) attributes {dimension_semantics = [#tpu.dimension_semantics<arbitrary>], iteration_bounds = array<i64: 8>, scalar_prefetch = 0 : i64, scratch_operands = 0 : i64, tpu.core_type = #tpu.core_type<tc>, window_params = [{transform_indices = @transform_0, window_bounds = array<i64: 4, 2, 8, 200>}, {transform_indices = @transform_1, window_bounds = array<i64: 4, 2, 8, 200>}, {transform_indices = @transform_2, window_bounds = array<i64: 32, 200>}, {transform_indices = @transform_3, window_bounds = array<i64: 32, 200>}]} {
    %get3A = arith.constant 0 : index
    %get3A_0 = arith.constant 0 : index
    %get3A_1 = arith.constant 0 : index
    %get3A_2 = arith.constant 0 : index
    %get3A_3 = vector.load %arg1[%get3A, %get3A_0, %get3A_1, %get3A_2] : memref<4x2x8x200xf32, #tpu.memory_space<vmem>>, vector<4x1x8x200xf32>
    %get3A_4 = vector.shape_cast %get3A_3 : vector<4x1x8x200xf32> to vector<4x8x200xf32>
    %reshape3A = vector.shape_cast %get3A_4 : vector<4x8x200xf32> to vector<32x200xf32>
    %get3A_5 = arith.constant 0 : index
    %get3A_6 = arith.constant 1 : index
    %get3A_7 = arith.constant 0 : index
    %get3A_8 = arith.constant 0 : index
    %get3A_9 = vector.load %arg2[%get3A_5, %get3A_6, %get3A_7, %get3A_8] : memref<4x2x8x200xf32, #tpu.memory_space<vmem>>, vector<4x1x8x200xf32>
    %get3A_10 = vector.shape_cast %get3A_9 : vector<4x1x8x200xf32> to vector<4x8x200xf32>
    %reshape3A_11 = vector.shape_cast %get3A_10 : vector<4x8x200xf32> to vector<32x200xf32>
    %add3A = arith.addf %reshape3A, %reshape3A_11 : vector<32x200xf32>
    %log3A = math.log %add3A : vector<32x200xf32>
    %log3A_12 = math.log %reshape3A : vector<32x200xf32>
    %sub3A = arith.subf %log3A_12, %log3A : vector<32x200xf32>
    %swap3A = arith.constant 0 : index
    %swap3A_13 = arith.constant 0 : index
    %swap3A_14 = vector.load %arg3[%swap3A, %swap3A_13] : memref<32x200xf32, #tpu.memory_space<vmem>>, vector<32x200xf32>
    tpu.vector_store %arg3[%swap3A, %swap3A_13], %sub3A {strides = array<i32>} : memref<32x200xf32, #tpu.memory_space<vmem>>, vector<32x200xf32>,
    %log3A_15 = math.log %reshape3A_11 : vector<32x200xf32>
    %sub3A_16 = arith.subf %log3A_15, %log3A : vector<32x200xf32>
    %swap3A_17 = arith.constant 0 : index
    %swap3A_18 = arith.constant 0 : index
    %swap3A_19 = vector.load %arg4[%swap3A_17, %swap3A_18] : memref<32x200xf32, #tpu.memory_space<vmem>>, vector<32x200xf32>
    tpu.vector_store %arg4[%swap3A_17, %swap3A_18], %sub3A_16 {strides = array<i32>} : memref<32x200xf32, #tpu.memory_space<vmem>>, vector<32x200xf32>,
    return
  }
  func.func @transform_0(%arg0: i32) -> (i32, i32, i32, i32) {
    %c0_i32 = arith.constant 0 : i32
    %c0_i32_0 = arith.constant 0 : i32
    %c0_i32_1 = arith.constant 0 : i32
    %c0_i32_2 = arith.constant 0 : i32
    return %arg0, %c0_i32, %c0_i32_0, %c0_i32_1 : i32, i32, i32, i32
  }
  func.func @transform_1(%arg0: i32) -> (i32, i32, i32, i32) {
    %c0_i32 = arith.constant 0 : i32
    %c0_i32_0 = arith.constant 0 : i32
    %c0_i32_1 = arith.constant 0 : i32
    %c0_i32_2 = arith.constant 0 : i32
    return %arg0, %c0_i32, %c0_i32_0, %c0_i32_1 : i32, i32, i32, i32
  }
  func.func @transform_2(%arg0: i32) -> (i32, i32) {
    %c0_i32 = arith.constant 0 : i32
    %c0_i32_0 = arith.constant 0 : i32
    return %arg0, %c0_i32 : i32, i32
  }
  func.func @transform_3(%arg0: i32) -> (i32, i32) {
    %c0_i32 = arith.constant 0 : i32
    %c0_i32_0 = arith.constant 0 : i32
    return %arg0, %c0_i32 : i32, i32
  }
}

</mosaic_0001>

<sc_bundles>
// kernel: kernel.5.cloned.1.call-start
scs
__scs_entry_jumppad:
0x0: {  	(pc) =	sbr.rel $0x88, $3  }
0x1: {  	(tag) =	ssettag $0x0;
	lr =	simm.s32 $0x1  }
0x2: {  	[smem:$0x3F99] =	sst lr;
	_ =	strace $0xD0000000  }
0x3: {  	_ = 	snop  }
0x4: {  	_ = 	snop  }
0x5: {  	_ = 	snop  }
0x6: {  	_ = 	snop  }
0x7: {  	_ = 	snop  }
__scs_overlays_trampoline_lowered:
0x8: {  	[smem:$0x3FA8] =	sst s0  }
0x9: {  	[smem:$0x3FA9] =	sst s1  }
0xa: {  	[smem:$0x3FAA] =	sst s2  }
0xb: {  	[smem:$0x3FAB] =	sst s3  }
0xc: {  	[smem:$0x3FAC] =	sst s4  }
0xd: {  	[smem:$0x3FAD] =	sst s5  }
0xe: {  	[smem:$0x3FAE] =	sst s6  }
0xf: {  	[smem:$0x3FAF] =	sst s7  }
0x10: {  	[smem:$0x3FB0] =	sst s8  }
0x11: {  	[smem:$0x3FB1] =	sst s9;
	s0 =	simm.s32 @!p0 $0x0  }
0x12: {  	s1 =	sld [smem:$0x3F97];
	s0 =	simm.s32 @p0 $0x1  }
0x13: {  	[smem:$0x3FB2] =	sst s0;
	s0 =	simm.s32 @!p1 $0x0  }
0x14: {  	s2 =	sld [smem:$0x3F96];
	s0 =	simm.s32 @p1 $0x1  }
0x15: {  	[smem:$0x3FB3] =	sst s0;
	s0 =	simm.s32 @!p2 $0x0  }
0x16: {  	s3 =	sld [smem:$0x3FDB];
	s0 =	simm.s32 @p2 $0x1  }
0x17: {  	s4 =	simm.s32 $0x1BF5;
	[smem:$0x3FB5] =	sst s0  }
0x18: {  	s0 =	sld [smem:$0x3F98];
	_ =	swait.ge [sflag:s4], $0x0  }
0x19: {  	s7 =	sld [smem:$0x3F99]  }
0x1a: {  	s8 =	sadd.s32 $0xFFFFE003, lr  }
0x1b: {  	s9 =	sadd.s32 $0xFFFFFEF7, lr;
	s5 =	simm.s32 $0xFFFFFFFF;
	p2 =	slt.u32 s8, $0xFFFFF086  }
0x1c: {  	p1 =	slt.u32 s9, $0xF7A;
	s5 =	simm.s32 @!p2 $0x0  }
0x1d: {  	s5 =	simm.s32 @p1 $0x1;
	p0 =	seq.s32 s7, s2  }
0x1e: {  	s7 =	smul.u32 @!p0 $0xF7A, s2;
	p2 =	seq.s32 @!p0 s5, $0x0  }
0x1f: {  	s9 =	smul.u32 $0xF7A, s1;
	s8 =	simm.s32 @!p0 $0x1BF5;
	p2 =	por !p2, p0  }
0x20: {  	[sflag:s8] =	ssyncset.s32 @!p0 $0xFFFFF086;
	s6 =	sadd.s32 @!p0 s3, s7;
	s7 =	simm.s32 @!p0 $0x108  }
0x21: {  	s3 =	sadd.s32 s3, s9;
	s6 =	sadd.s32 @!p0 $0x88, s6;
	s7 =	simm.s32 @p2 $0x1082  }
0x22: {  	[simem:s7], [sflag:s8] =	dma.local @!p0 [hbm:s6], $0xF7A  }
0x23: {  	s9 =	sor.u32 $0xD0000000, s2;
	s6 =	simm.s32 $0x108;
	_ =	swait.ge @!p0 [sflag:s8], $0x0  }
0x24: {  	s3 =	sadd.s32 $0x88, s3;
	s6 =	simm.s32 @!p1 $0x1082;
	[sflag:s4] =	ssyncset.s32 $0xFFFFF086  }
0x25: {  	[simem:s6], [sflag:s4] =	dma.local [hbm:s3], $0xF7A  }
0x26: {  	[smem:$0x3F99] =	sst s1;
	(tag) =	ssettag s2;
	_ =	strace s9  }
0x27: {  	s1 =	sld [smem:$0x3FA9]  }
0x28: {  	s2 =	sld [smem:$0x3FAA]  }
0x29: {  	s4 =	sld [smem:$0x3FAC]  }
0x2a: {  	p0 =	seq.s32 s5, $0x0;
	s5 =	sld [smem:$0x3FAD]  }
0x2b: {  	s6 =	sld [smem:$0x3FAE]  }
0x2c: {  	s7 =	sld [smem:$0x3FAF]  }
0x2d: {  	s3 =	simm.s32 $0x108;
	s8 =	sld [smem:$0x3FB0]  }
0x2e: {  	s3 =	simm.s32 @!p0 $0x1082;
	s9 =	sld [smem:$0x3FB1]  }
0x2f: {  	lr =	sadd.s32 s0, s3;
	s0 =	sld [smem:$0x3FA8]  }
0x30: {  	s3 =	sld [smem:$0x3FAB]  }
0x31: {  	[smem:$0x3FB4] =	sst s10  }
0x32: {  	s10 =	sld [smem:$0x3FB2];
	_ =	sdelay $0x3  }
0x33: {  	p0 =	seq.s32 s10, $0x1;
	s10 =	sld [smem:$0x3FB4];
	_ =	sdelay $0x3  }
0x34: {  	[smem:$0x3FB4] =	sst s10  }
0x35: {  	s10 =	sld [smem:$0x3FB3];
	_ =	sdelay $0x3  }
0x36: {  	p1 =	seq.s32 s10, $0x1;
	s10 =	sld [smem:$0x3FB4];
	_ =	sdelay $0x3  }
0x37: {  	[smem:$0x3FB4] =	sst s10  }
0x38: {  	s10 =	sld [smem:$0x3FB5]  }
0x39: {  	_ = 	snop;
	(pc) =	sbr.ind lr, $3  }
0x3a: {  	_ = 	snop  }
0x3b: {  	_ = 	snop  }
0x3c: {  	p2 =	seq.s32 s10, $0x1;
	s10 =	sld [smem:$0x3FB4]  }
0x3d: {  	_ =	shalt  }
0x3e: {  	_ =	shalt  }
0x3f: {  	_ =	shalt  }
0x40: {  	_ =	shalt  }
0x41: {  	_ =	shalt  }
0x42: {  	_ =	shalt  }
0x43: {  	_ =	shalt  }
0x44: {  	_ =	shalt  }
0x45: {  	_ =	shalt  }
0x46: {  	_ =	shalt  }
0x47: {  	_ =	shalt  }
0x48: {  	_ =	shalt  }
0x49: {  	_ =	shalt  }
0x4a: {  	_ =	shalt  }
0x4b: {  	_ =	shalt  }
0x4c: {  	_ =	shalt  }
0x4d: {  	_ =	shalt  }
0x4e: {  	_ =	shalt  }
0x4f: {  	_ =	shalt  }
0x50: {  	_ =	shalt  }
0x51: {  	_ =	shalt  }
0x52: {  	_ =	shalt  }
0x53: {  	_ =	shalt  }
0x54: {  	_ =	shalt  }
0x55: {  	_ =	shalt  }
0x56: {  	_ =	shalt  }
0x57: {  	_ =	shalt  }
0x58: {  	_ =	shalt  }
0x59: {  	_ =	shalt  }
0x5a: {  	_ =	shalt  }
0x5b: {  	_ =	shalt  }
0x5c: {  	_ =	shalt  }
0x5d: {  	_ =	shalt  }
0x5e: {  	_ =	shalt  }
0x5f: {  	_ =	shalt  }
0x60: {  	_ =	shalt  }
0x61: {  	_ =	shalt  }
0x62: {  	_ =	shalt  }
0x63: {  	_ =	shalt  }
0x64: {  	_ =	shalt  }
0x65: {  	_ =	shalt  }
0x66: {  	_ =	shalt  }
0x67: {  	_ =	shalt  }
0x68: {  	_ =	shalt  }
0x69: {  	_ =	shalt  }
0x6a: {  	_ =	shalt  }
0x6b: {  	_ =	shalt  }
0x6c: {  	_ =	shalt  }
0x6d: {  	_ =	shalt  }
0x6e: {  	_ =	shalt  }
0x6f: {  	_ =	shalt  }
0x70: {  	_ =	shalt  }
0x71: {  	_ =	shalt  }
0x72: {  	_ =	shalt  }
0x73: {  	_ =	shalt  }
0x74: {  	_ =	shalt  }
0x75: {  	_ =	shalt  }
0x76: {  	_ =	shalt  }
0x77: {  	_ =	shalt  }
0x78: {  	_ =	shalt  }
0x79: {  	_ =	shalt  }
0x7a: {  	_ =	shalt  }
0x7b: {  	_ =	shalt  }
0x7c: {  	_ =	shalt  }
0x7d: {  	_ =	shalt  }
0x7e: {  	_ =	shalt  }
0x7f: {  	_ =	shalt  }
0x80: {  	_ =	shalt  }
0x81: {  	_ =	shalt  }
0x82: {  	_ =	shalt  }
0x83: {  	_ =	shalt  }
0x84: {  	_ =	shalt  }
0x85: {  	_ =	shalt  }
0x86: {  	_ =	shalt  }
0x87: {  	_ =	shalt  }
.Lfunc_end0:
.L_simem_size_0:
called_computation_lowered:
.L_overlay_start_0:
0x88: {  	s2 =	sld [smem:$0x3FD9]  }
0x89: {  	s3 =	sld [smem:$0x3FFE];
	_ =	sdelay $0x1  }
0x8a: {  	s1 =	srdreg.scid  }
0x8b: {  	s0 =	sand.u32 $0x1, s1  }
0x8c: {  	s17 =	sshll.u32 s0, $0xA;
	s2 =	sadd.s32 s3, s2  }
0x8d: {  	s2 =	sadd.s32 s2, s17  }
0x8e: {  	[smem:$0x3FC0] =	sst s2  }
0x8f: {  	_ = 	snop  }
0x90: {  	s2 =	sld [smem:$0x3FD0];
	(tm) =	ssettm $0x1  }
0x91: {  	s18 =	sld [smem:$0x3FFB];
	_ =	sdelay $0x3  }
0x92: {  	_ =	strace s18  }
0x93: {  	s3 =	sld [smem:$0x3FFC];
	_ =	sdelay $0x3  }
0x94: {  	_ =	strace s3  }
0x95: {  	s3 =	sld [smem:$0x3FFD];
	_ =	sdelay $0x3  }
0x96: {  	_ =	strace s3  }
0x97: {  	_ =	strace $0x8FFFFFFF  }
0x98: {  	s19 =	sld [smem:$0x3FDB];
	_ =	sdelay $0x1  }
0x99: {  	s4 =	simm.s32 $_scs_section_size  }
0x9a: {  	s5 =	simm.s32 $_size__tile_overlayer_lowered;
	s6 =	simm.s32 $_tile_overlayer_lowered  }
0x9b: {  	s22 =	simm.s32 $0x1BFF;
	s21 =	sshll.u32 s6, $0x1;
	s3 =	sadd.s32 s4, s19  }
0x9c: {  	s7 =	simm.s32 $0x0;
	s20 =	sshll.u32 s5, $0x1;
	s5 =	sadd.s32 s21, s3  }
0x9d: {  	[timem:s7], [sflag:s22] =	dma.local [hbm:s5], s20  }
0x9e: {  	_ =	swait.ge [sflag:s22], s20  }
0x9f: {  	s4 =	ssub.s32 $0x0, s20;
	[sflag:s22] =	ssyncset.done $0x0  }
0xa0: {  	[sflag:s22] =	ssyncadd.s32 s4;
	_ =	sdelay $0x1  }
0xa1: {  	s23 =	simm.s32 $0x1B8B  }
0xa2: {  	_ =	swait.ge [sflag:s23], $0x1  }
0xa3: {  	[sflag:s23] =	ssyncset.done $0x0  }
0xa4: {  	s25 =	simm.s32 $0x1B8E;
	s24 =	sld [smem:$0x3FFE];
	[sflag:s23] =	ssyncadd.s32 $0xFFFFFFFF  }
0xa5: {  	s26 =	simm.s32 $execute0_lowered;
	[smem:$0x3FD2] =	sst s25  }
0xa6: {  	s5 =	sshll.u32 s26, $0x1;
	_ =	strace $0x80000046;
	[dreg:$0x1] =	wrdreg $0xFFFFFFFF  }
0xa7: {  	s28 =	simm.s32 $_size_execute0_lowered;
	s3 =	sadd.s32 s3, s5;
	[dreg:$0x0] =	wrdreg $0x0  }
0xa8: {  	s5 =	sshll.u32 s28, $0x1;
	[dreg:$0x2] =	wrdreg s3  }
0xa9: {  	[dreg:$0x3] =	wrdreg s5  }
0xaa: {  	[dreg:$0x4] =	wrdreg $0xC0  }
0xab: {  	_ =	task [dreg:s7], $0x5FFFF  }
0xac: {  	[dreg:$0x1] =	wrdreg $0xFFFFFFFF  }
0xad: {  	[dreg:$0x0] =	wrdreg $0x60  }
0xae: {  	[dreg:$0x2] =	wrdreg s24  }
0xaf: {  	[dreg:$0x3] =	wrdreg s2  }
0xb0: {  	[dreg:$0x4] =	wrdreg $0x9  }
0xb1: {  	_ =	task.clear_ibuf [dreg:s7], $0x5FFFF;
	_ =	strace $0x90000046  }
0xb2: {  	s29 =	simm.s32 $0x9;
	_ =	strace $0x80000048  }
0xb3: {  	_ =	swait.ge [sflag:s29], $0x1  }
0xb4: {  	[sflag:s29] =	ssyncadd.s32 $0xFFFFFFFF  }
0xb5: {  	_ =	strace $0x90000048  }
0xb6: {  	_ =	sfence  }
0xb7: {  	s30 =	sld [smem:$0x0];
	_ =	sdelay $0x2  }
0xb8: {  	s31 =	sshll.u32 s1, $0xD;
	s1 =	sshrl.u32 s1, $0x2  }
0xb9: {  	s3 =	sand.u32 $0x4000, s31;
	s1 =	sadd.s32 s1, s30  }
0xba: {  	s0 =	sor.u32 s3, s0;
	s1 =	sshll.u32 s1, $0x11  }
0xbb: {  	s0 =	sor.u32 s1, s0  }
0xbc: {  	s0 =	sadd.s32 $0x8F2B, s0  }
0xbd: {  	[sflag:s0] =	ssyncadd.remote.s32 $0x1  }
0xbe: {  	_ =	sfence.sel $0xFFFF  }
0xbf: {  	[dreg:$0x0] =	wrdreg $0xFFFFFFFF;
	(pc) =	sbr.abs _section_cstart, $3  }
0xc0: {  	[dreg:$0x1] =	wrdreg $0xFFFFFFFF  }
0xc1: {  	_ =	task.clear_ibuf [dreg:s7], $0x2FFFF;
	_ =	strace $0x9FFFFFFF  }
0xc2: {  	(tm) =	ssettm $0x7FFFFFFF  }
0xc3: {  	_ =	shalt  }
tec
execute0_lowered:
.L_overlay_start_1:
0x0: {  	(tag) =	ssettag $0x1  }
0x1: {  	s1 =	srdreg.scid  }
0x2: {  	s0 =	stileid.u32;
	s9 =	rddreg [dreg:$0x0]  }
0x3: {  	s10 =	rddreg [dreg:$0x1];
	s2 =	simm.s32 $0x0;
	s13 =	simm.s32 $0x680  }
0x4: {  	s14 =	simm.s32 $0xD00;
	s15 =	simm.s32 $0x1380;
	s16 =	simm.s32 $0x1580  }
0x5: {  	s17 =	simm.s32 $0x1680;
	s18 =	simm.s32 $0x1800;
	s19 =	simm.s32 $0xBB80  }
0x6: {  	s20 =	simm.s32 $0xBC00;
	s3 =	sand.u32 $0x1, s1;
	s29 =	sshll.u32 s0, $0x1  }
0x7: {  	v0 =	vimm.s32 $0xFEDCBA98;
	s21 =	simm.s32 $0x0;
	s1 =	rddreg [dreg:$0x2];
	s7 =	sor.u32 s3, s29  }
0x8: {  	v1 =	vimm.s32 $0x76543210;
	[smem:$0x7FF] =	sst s2;
	s6 =	sadd.s32 $0x4B00, s9;
	v2 =	vunpack.c.l.s4.s8 v0;
	s4 =	smul.u32 $0x640, s7  }
0x9: {  	v3 =	vimm.f32 $0.0e+00;
	s8 =	sadd.s32 $0x4B4B, s9;
	v0 =	vlaneseq.u32;
	v4 =	vunpack.c.l.s4.s8 v1;
	s5 =	ssub.s32 $0x2, s3;
	s12 =	smul.u32 $0x190, s7  }
0xa: {  	vm0 =	vcmask $0x1F00;
	_ =	strace $0x80000047;
	v1 =	vand.u32 $0x7, v0;
	s31 =	sshrl.u32 s5, $0x1;
	s7 =	sadd.s32 $0x4B32, s9;
	v5 =	vunpack.c.0.s8.s32 v2  }
0xb: {  	v6 =	vshrl.u32 v0, $0x3;
	v1 =	vmul.u32 $0xC8, v1;
	v7 =	vunpack.c.0.s8.s32 v4;
	s11 =	ssub.s32 s5, s31;
	s30 =	sshrl.u32 s4, $0x3;
	s10 =	sadd.s32 s10, s12  }
0xc: {  	v2 =	vsel vm0, $0x3F800000, v3;
	v3 =	vmul.u32 $0xD, v6;
	s11 =	smax.u32 s11, $0x1;
	s12 =	simm.s32 $0x1;
	v5 =	vand.u32 $0xF, v5;
	s3 =	sadd.s32 s9, s30  }
0xd: {  	v4 =	vor.u32 $0x10, v0;
	v6 =	vadd.s32 $0x640, v1;
	s9 =	sadd.s32 $0x4B4F, s9;
	v5 =	vcombine.low v5, v7;
	s4 =	sadd.s32 $0x3200, s3;
	s5 =	sadd.s32 $0x1900, s3  }
.LBB2_1:
0xe: {  	[tilespmem:s2], [sflag:$0x1] =	stream.linear.gather [hbm4b:s4+s2], $0x640, $0x38;
	[tilespmem:$0xC880] =	vst v63  }
0xf: {  	_ =	swait.ge [sflag:s12], $0x640  }
0x10: {  	[sflag:s12] =	ssyncset.done $0x0  }
0x11: {  	[sflag:s12] =	ssyncadd.s32 $0xFFFFF9C0  }
0x12: {  	[tilespmem:s13], [sflag:$0x1] =	stream.linear.gather [hbm4b:s3+s2], $0x640, $0x38;
	[tilespmem:$0xC880] =	vst v63  }
0x13: {  	_ =	swait.ge [sflag:s12], $0x640  }
0x14: {  	[sflag:s12] =	ssyncset.done $0x0  }
0x15: {  	[sflag:s12] =	ssyncadd.s32 $0xFFFFF9C0  }
0x16: {  	[tilespmem:s14], [sflag:$0x1] =	stream.linear.gather [hbm4b:s5+s2], $0x640, $0x38;
	[tilespmem:$0xC880] =	vst v63  }
0x17: {  	_ =	swait.ge [sflag:s12], $0x640  }
0x18: {  	[sflag:s12] =	ssyncset.done $0x0  }
0x19: {  	[sflag:s12] =	ssyncadd.s32 $0xFFFFF9C0  }
0x1a: {  	[tilespmem:s15], [sflag:$0x1] =	stream.linear.gather [hbm4b:s6+s2], $0x190, $0x38;
	[tilespmem:$0xC880] =	vst v63  }
0x1b: {  	_ =	swait.ge [sflag:s12], $0x190  }
0x1c: {  	[sflag:s12] =	ssyncset.done $0x0  }
0x1d: {  	[sflag:s12] =	ssyncadd.s32 $0xFFFFFE70  }
0x1e: {  	[tilespmem:s16], [sflag:$0x1] =	stream.linear.gather [hbm4b:s7+s2], $0xC8, $0x38;
	[tilespmem:$0xC880] =	vst v63  }
0x1f: {  	_ =	swait.ge [sflag:s12], $0xC8  }
0x20: {  	[sflag:s12] =	ssyncset.done $0x0  }
0x21: {  	[sflag:s12] =	ssyncadd.s32 $0xFFFFFF38  }
0x22: {  	[tilespmem:s17], [sflag:$0x1] =	stream.linear.gather [hbm4b:s8+s2], $0x20, $0x38;
	[tilespmem:$0xC880] =	vst v63  }
0x23: {  	_ =	swait.ge [sflag:s12], $0x20  }
0x24: {  	[sflag:s12] =	ssyncset.done $0x0  }
0x25: {  	[sflag:s12] =	ssyncadd.s32 $0xFFFFFFE0  }
0x26: {  	v7 =	vadd.s32 s2, v3;
	[tilespmem:s18], [sflag:$0x1] =	stream.linear.gather [hbm4b:s9+s2], $0xC80, $0x38;
	[tilespmem:$0xC880] =	vst v63  }
0x27: {  	v8 =	vmov s2;
	_ =	swait.ge [sflag:s12], $0xC80  }
0x28: {  	vm0 =	veq.s32 v8, $0xC;
	[sflag:s12] =	ssyncset.done $0x0  }
0x29: {  	s22 =	simm.s32 $0xBA80;
	v8 =	vnsel vm0, $0x3F800000, v2;
	[sflag:s12] =	ssyncadd.s32 $0xFFFFF380  }
0x2a: {  	[tilespmem:s22+$0x0] =	vst v8  }
0x2b: {  	v7 =	vld.idx.msk [tilespmem:v7+s17+$0x0], $0xffff  }
0x2c: {  	s31 =	simm.s32 $0x1  }
0x2d: {  	v8 =	vadd.s32 s31, v3  }
0x2e: {  	v9 =	vmov s31  }
0x2f: {  	vm15 =	veq.s32 v9, $0xC;
	s22 =	simm.s32 $0x1700  }
0x30: {  	s23 =	simm.s32 $0xBA90;
	v9 =	vnsel vm15, $0x3F800000, v2;
	[tilespmem:s22+$0x0] =	vst v7  }
0x31: {  	[tilespmem:s23+$0x0] =	vst v9  }
0x32: {  	v8 =	vld.idx.msk [tilespmem:v8+s17+$0x0], $0xffff  }
0x33: {  	s24 =	simm.s32 $0x2  }
0x34: {  	s25 =	simm.s32 $0x3;
	v7 =	vadd.s32 s24, v3  }
.LBB2_2:
0x35: {  	p0 =	sne.s32 s25, $0xC;
	v9 =	vmov s24;
	s24 =	smov.u32 s25  }
0x36: {  	s22 =	sadd.s32 $0x10, s22;
	vm0 =	veq.s32 v9, $0xC  }
0x37: {  	s23 =	sadd.s32 $0x10, s23;
	v9 =	vnsel vm0, $0x3F800000, v2;
	[tilespmem:s22+$0x0] =	vst v8  }
.Ltmp0:
0x38: {  	[tilespmem:s23+$0x0] =	vst v9;
	(pc) =	sbr.rel @p0 .LBB2_2-.Ltmp0, $2  }
0x39: {  	v8 =	vld.idx.msk [tilespmem:v7+s17+$0x0], $0xffff;
	_ =	sdelay $0x2  }
0x3a: {  	s25 =	sadd.s32 $0x1, s25;
	v7 =	vadd.s32 s24, v3  }
0x3b: {  	v9 =	vmov s24  }
0x3c: {  	s22 =	sadd.s32 $0x10, s22;
	vm0 =	veq.s32 v9, $0xC  }
0x3d: {  	s23 =	sadd.s32 $0x10, s23;
	[tilespmem:s22+$0x0] =	vst v8;
	v9 =	vnsel vm0, $0x3F800000, v2  }
0x3e: {  	[tilespmem:s23+$0x0] =	vst v9  }
0x3f: {  	v7 =	vld.idx.msk [tilespmem:v7+s17+$0x0], $0xffff;
	_ =	sdelay $0x3  }
0x40: {  	s22 =	sadd.s32 $0x10, s22  }
0x41: {  	s23 =	simm.s32 $0x1800;
	[tilespmem:s22+$0x0] =	vst v7  }
0x42: {  	s24 =	simm.s32 $0x10;
	s25 =	simm.s32 $0x0;
	s22 =	simm.s32 $0x0;
	v7 =	vld [tilespmem:s23+$0x0]  }
.LBB2_4:
0x43: {  	p0 =	sne.s32 s24, $0xC70;
	_ =	sdelay $0x2  }
0x44: {  	s26 =	sand.u32 $0xFF0, s25;
	s25 =	smov.u32 s24  }
0x45: {  	[tilespmem:s26+$0x2480] =	vst v7  }
0x46: {  	[tilespmem:s26+$0x3100] =	vst v7  }
0x47: {  	[tilespmem:s26+$0x3D80] =	vst v7  }
0x48: {  	[tilespmem:s26+$0x4A00] =	vst v7  }
0x49: {  	[tilespmem:s26+$0x5680] =	vst v7  }
0x4a: {  	[tilespmem:s26+$0x6300] =	vst v7  }
0x4b: {  	[tilespmem:s26+$0x6F80] =	vst v7  }
0x4c: {  	[tilespmem:s26+$0x7C00] =	vst v7  }
.Ltmp1:
0x4d: {  	[tilespmem:s26+$0x8880] =	vst v7;
	(pc) =	sbr.rel @p0 .LBB2_4-.Ltmp1, $4  }
0x4e: {  	[tilespmem:s26+$0x9500] =	vst v7  }
0x4f: {  	[tilespmem:s26+$0xA180] =	vst v7  }
0x50: {  	s23 =	sadd.s32 $0x10, s23;
	[tilespmem:s26+$0xAE00] =	vst v7  }
0x51: {  	s24 =	sadd.s32 $0x10, s24;
	v7 =	vld [tilespmem:s23+$0x0]  }
0x52: {  	_ =	sdelay $0x2  }
0x53: {  	s23 =	sand.u32 $0xFF0, s25  }
0x54: {  	[tilespmem:s23+$0x2480] =	vst v7  }
0x55: {  	[tilespmem:s23+$0x3100] =	vst v7  }
0x56: {  	[tilespmem:s23+$0x3D80] =	vst v7  }
0x57: {  	[tilespmem:s23+$0x4A00] =	vst v7  }
0x58: {  	[tilespmem:s23+$0x5680] =	vst v7  }
0x59: {  	[tilespmem:s23+$0x6300] =	vst v7  }
0x5a: {  	[tilespmem:s23+$0x6F80] =	vst v7  }
0x5b: {  	[tilespmem:s23+$0x7C00] =	vst v7  }
0x5c: {  	[tilespmem:s23+$0x8880] =	vst v7  }
0x5d: {  	[tilespmem:s23+$0x9500] =	vst v7  }
0x5e: {  	[tilespmem:s23+$0xA180] =	vst v7  }
0x5f: {  	v8 =	vimm.f32 $1.000000000e+00;
	[tilespmem:s23+$0xAE00] =	vst v7  }
.LBB2_6:
0x60: {  	v7 =	vadd.s32 s22, v1;
	_ =	sdelay $0x3  }
0x61: {  	s24 =	simm.s32 $0x0  }
0x62: {  	v9 =	vld.idx.msk [tilespmem:v7+s24+$0x0], $0xffff;
	_ =	sdelay $0x4  }
0x63: {  	v9 =	vtrunc.f32 v9  }
0x64: {  	v14 =	vcvt.f32.s32 v9;
	_ =	sdelay $0x1  }
0x65: {  	v15 =	vand.u32 $0xFF, v14  }
0x66: {  	v9 =	vshll.u32 v15, $0x1  }
0x67: {  	v10 =	vor.u32 $0x1, v9;
	_ =	sdelay $0x1  }
0x68: {  	v11 =	vld.idx.msk [tilespmem:v7+s13+$0x0], $0xffff  }
0x69: {  	v12 =	vld.idx.msk [tilespmem:v7+s14+$0x0], $0xffff  }
0x6a: {  	v9 =	vld.idx.msk [tilespmem:v9+s16+$0x0], $0xffff  }
0x6b: {  	v10 =	vld.idx.msk [tilespmem:v10+s16+$0x0], $0xffff;
	_ =	sdelay $0x3  }
0x6c: {  	v9 =	vadd.f32 v9, v11  }
0x6d: {  	v10 =	vadd.f32 v10, v12  }
0x6e: {  	v9 =	vmul.f32 $1.442695020e+00, v9  }
0x6f: {  	v10 =	vmul.f32 $1.442695020e+00, v10  }
0x70: {  	(erf) = vpow2.f32 v9  }
0x71: {  	(erf) = vpow2.f32 v10;
	_ =	sdelay $0x2  }
0x72: {  	s23 =	simm.s32 $0x1700  }
0x73: {  	v12 =	vld [tilespmem:s23+$0x0];
	_ =	sdelay $0x3  }
0x74: {  	v9 =	vpop (erf)  }
0x75: {  	v11 =	vshll.u32 v15, $0x5;
	v10 =	vpop (erf);
	v16 =	vmul.f32 v12, v9  }
0x76: {  	v13 =	vor.u32 v0, v11;
	v17 =	vmul.f32 v12, v10  }
0x77: {  	v18 =	vor.u32 v4, v11;
	v19 =	vadd.s32 s24, v11;
	v20 =	vadd.f32 $1.000000000e+00, v16  }
0x78: {  	v19 =	vand.u32 $0x1FF80, v19;
	v12 =	vand.u32 $0x6F, v13;
	v21 =	vadd.f32 $1.000000000e+00, v17  }
0x79: {  	v13 =	vand.u32 $0x7F, v18;
	v18 =	vor.u32 v12, v19;
	(erf) = vrcp.f32 v20  }
0x7a: {  	v19 =	vor.u32 v13, v19;
	(erf) = vrcp.f32 v21;
	_ =	sdelay $0x3  }
0x7b: {  	v20 =	vld.idx.msk [tilespmem:v18+s18+$0x0], $0xffff  }
0x7c: {  	v21 =	vld.idx.msk [tilespmem:v19+s18+$0x0], $0xffff;
	_ =	sdelay $0x2  }
0x7d: {  	v14 =	vand.u32 $0xFFFFFF00, v14;
	v22 =	vpop (erf)  }
0x7e: {  	vm0 =	veq.s32 v14, $0x100;
	v23 =	vpop (erf)  }
0x7f: {  	v15 =	vshll.u32 v15, $0x2;
	v20 =	vmul.f32 v22, v20;
	v21 =	vmul.f32 v23, v21  }
0x80: {  	v14 =	vnsel vm0, $0x3F800000, v16;
	v22 =	vor.u32 $0x1, v15;
	v23 =	vnsel vm0, $0x3F800000, v17  }
0x81: {  	v24 =	vmul.f32 v20, v14;
	v23 =	vmul.f32 v21, v23;
	_ =	sdelay $0x1  }
0x82: {  	v25 =	vadd.f32 v23, v24  }
0x83: {  	v14 =	vld.idx.msk [tilespmem:v15+s15+$0x0], $0xffff  }
0x84: {  	v15 =	vld.idx.msk [tilespmem:v22+s15+$0x0], $0xffff;
	(erf) = vrcp.f32 v25  }
0x85: {  	v16 =	vmul.f32 v20, v16;
	v17 =	vmul.f32 v21, v17;
	_ =	sdelay $0x1  }
0x86: {  	v20 =	vadd.f32 v21, v20;
	v16 =	vadd.f32 v17, v16;
	_ =	sdelay $0x1  }
0x87: {  	v21 =	vmul.f32 v24, v14;
	v22 =	vadd.f32 v16, v20;
	v17 =	vmul.f32 v23, v15;
	_ =	sdelay $0x1  }
0x88: {  	v17 =	vadd.f32 v17, v21  }
0x89: {  	(erf) = vrcp.f32 v22  }
0x8a: {  	v21 =	vsub.f32 v25, v17;
	v22 =	vpop (erf)  }
0x8b: {  	v17 =	vmul.f32 v22, v17  }
0x8c: {  	v21 =	vmul.f32 v21, v22  }
0x8d: {  	[tilespmem:v18+s18+$0x0] =	vst.idx.msk $0xffff, v17  }
0x8e: {  	s24 =	simm.s32 $0xBA80;
	[tilespmem:v19+s18+$0x0] =	vst.idx.msk $0xffff, v21  }
0x8f: {  	v17 =	vld [tilespmem:s24+$0x0];
	_ =	sdelay $0x2  }
0x90: {  	v18 =	vpop (erf)  }
0x91: {  	v19 =	vmul.f32 v18, v20  }
0x92: {  	v18 =	vmul.f32 v18, v16;
	v20 =	vmul.f32 v17, v8  }
0x93: {  	v16 =	vmov s22  }
0x94: {  	v23 =	vsel vm0, v18, v19;
	v17 =	vimm.f32 $0.0e+00;
	v21 =	vmul.f32 v19, v20  }
0x95: {  	s25 =	simm.s32 $0xC80;
	s26 =	simm.s32 $0xBA80;
	v22 =	vmul.f32 v18, v20;
	v19 =	vimm.f32 $0.0e+00;
	v18 =	vimm.f32 $0.0e+00  }
.LBB2_7:
0x96: {  	p0 =	sne.s32 s25, $0x9600;
	v20 =	vmul.f32 v23, v20;
	s23 =	sadd.s32 $0x10, s23;
	s24 =	sadd.s32 $0x10, s24  }
0x97: {  	s28 =	smov.u32 s25;
	s25 =	sadd.s32 $0xC80, s25;
	v17 =	vadd.f32 v21, v17;
	v19 =	vadd.f32 v22, v19  }
0x98: {  	[tilespmem:s26+$0x0] =	vst v20;
	v18 =	vadd.f32 v20, v18;
	s26 =	smov.u32 s24  }
0x99: {  	v20 =	vld [tilespmem:s23+$0x0];
	_ =	sdelay $0x4  }
0x9a: {  	v21 =	vmul.f32 v20, v9;
	v20 =	vmul.f32 v20, v10  }
0x9b: {  	v22 =	vadd.s32 s28, v11  }
0x9c: {  	v22 =	vand.u32 $0x1FF80, v22;
	v23 =	vadd.f32 $1.000000000e+00, v21;
	v24 =	vadd.f32 $1.000000000e+00, v20  }
0x9d: {  	v25 =	vor.u32 v12, v22;
	v22 =	vor.u32 v13, v22  }
0x9e: {  	(erf) = vrcp.f32 v23  }
0x9f: {  	(erf) = vrcp.f32 v24;
	_ =	sdelay $0x2  }
0xa0: {  	v23 =	vld.idx.msk [tilespmem:v25+s18+$0x0], $0xffff  }
0xa1: {  	v24 =	vld.idx.msk [tilespmem:v22+s18+$0x0], $0xffff;
	_ =	sdelay $0x3  }
0xa2: {  	v26 =	vpop (erf)  }
0xa3: {  	v23 =	vmul.f32 v26, v23;
	v26 =	vpop (erf)  }
0xa4: {  	v27 =	vnsel vm0, $0x3F800000, v20;
	v24 =	vmul.f32 v26, v24;
	v26 =	vnsel vm0, $0x3F800000, v21  }
0xa5: {  	v21 =	vmul.f32 v23, v21;
	v26 =	vmul.f32 v23, v26  }
0xa6: {  	v20 =	vmul.f32 v24, v20;
	v27 =	vmul.f32 v24, v27  }
0xa7: {  	v23 =	vadd.f32 v24, v23  }
0xa8: {  	v20 =	vadd.f32 v20, v21;
	v21 =	vadd.f32 v27, v26;
	v24 =	vmul.f32 v27, v15;
	_ =	sdelay $0x1  }
0xa9: {  	v27 =	vadd.f32 v20, v23;
	(erf) = vrcp.f32 v21;
	_ =	sdelay $0x1  }
0xaa: {  	(erf) = vrcp.f32 v27;
	_ =	sdelay $0x1  }
0xab: {  	v26 =	vmul.f32 v26, v14;
	_ =	sdelay $0x1  }
0xac: {  	v24 =	vadd.f32 v24, v26;
	_ =	sdelay $0x1  }
0xad: {  	v21 =	vsub.f32 v21, v24  }
0xae: {  	v26 =	vpop (erf)  }
0xaf: {  	v24 =	vmul.f32 v26, v24;
	v21 =	vmul.f32 v21, v26  }
0xb0: {  	v26 =	vpop (erf)  }
0xb1: {  	[tilespmem:v25+s18+$0x0] =	vst.idx.msk $0xffff, v24  }
0xb2: {  	[tilespmem:v22+s18+$0x0] =	vst.idx.msk $0xffff, v21  }
0xb3: {  	v21 =	vld [tilespmem:s24+$0x0];
	_ =	sdelay $0x2  }
.Ltmp2:
0xb4: {  	(pc) =	sbr.rel @p0 .LBB2_7-.Ltmp2, $4  }
0xb5: {  	v24 =	vmul.f32 v26, v20;
	v22 =	vmul.f32 v26, v23  }
0xb6: {  	v20 =	vmul.f32 v21, v8  }
0xb7: {  	v23 =	vsel vm0, v24, v22  }
0xb8: {  	v21 =	vmul.f32 v22, v20;
	v22 =	vmul.f32 v24, v20  }
0xb9: {  	v8 =	vmul.f32 v23, v20  }
0xba: {  	v9 =	vadd.f32 v21, v17  }
0xbb: {  	v10 =	vadd.f32 v22, v19;
	[tilespmem:s26+$0x0] =	vst v8  }
0xbc: {  	v8 =	vadd.f32 v8, v18;
	[tilespmem:$0xBB80] =	vst v9  }
0xbd: {  	v11 =	vld.idx.msk [tilespmem:v5+s19+$0x0], $0xffff;
	[tilespmem:$0xBB80] =	vst v10  }
0xbe: {  	v12 =	vld.idx.msk [tilespmem:v5+s19+$0x0], $0xffff;
	[tilespmem:$0xBB80] =	vst v8  }
0xbf: {  	v13 =	vld.idx.msk [tilespmem:v5+s19+$0x0], $0xffff;
	_ =	sdelay $0x4  }
0xc0: {  	v8 =	vadd.f32 v13, v8;
	_ =	sdelay $0x1  }
0xc1: {  	(erf) = vrcp.f32 v8;
	_ =	sdelay $0x2  }
0xc2: {  	s22 =	sadd.s32 $0x1, s22  }
0xc3: {  	p0 =	sne.s32 s22, $0xC8;
	v8 =	vadd.s32 v6, v16  }
.Ltmp3:
0xc4: {  	_ = 	snop;
	(pc) =	sbr.rel @p0 .LBB2_6-.Ltmp3, $4  }
0xc5: {  	v9 =	vadd.f32 v11, v9  }
0xc6: {  	v10 =	vadd.f32 v12, v10  }
0xc7: {  	[tilespmem:v7+s20+$0x0] =	vst.idx.msk $0xff, v9  }
0xc8: {  	[tilespmem:v8+s20+$0x0] =	vst.idx.msk $0xff, v10;
	v8 =	vpop (erf)  }
0xc9: {  	s21 =	sadd.s32 $0x1, s21  }
0xca: {  	p0 =	sne.s32 s21, s11  }
.Ltmp4:
0xcb: {  	_ = 	snop;
	(pc) =	sbr.rel @p0 .LBB2_1-.Ltmp4, $4  }
0xcc: {  	[hbm4b:s10+s2] =	stream.linear.scatter [tilespmem:s20], [sflag:$0x1], $0xC80, $0x38;
	[tilespmem:$0xC880] =	vst v63  }
0xcd: {  	_ =	swait.ge [sflag:s12], $0xC80  }
0xce: {  	[sflag:s12] =	ssyncset.done $0x0  }
0xcf: {  	[sflag:s12] =	ssyncadd.s32 $0xFFFFF380  }
0xd0: {  	_ =	sfence.sel $0x180000  }
0xd1: {  	[bflag:$0x0] =	sbarrier.arrive $0xFFFF  }
0xd2: {  	p0 =	sne.s32 s0, $0x0;
	_ =	strace $0x90000047  }
0xd3: {  	s0 =	sadd.s32 @!p0 $0x100000, s1;
	[bflag:$0x2] =	sbarrier.arrive $0xFFFF  }
0xd4: {  	[sflag:s0] =	ssyncadd.tile.s32 @!p0 $0x1;
	_ =	shalt  }
.Lfunc_end2:
_tile_overlayer_lowered:
.L_overlay_start_2:
0xd5: {  	(tag) =	ssettag $0x2  }
0xd6: {  	s0 =	rddreg [dreg:$0x0];
	s2 =	stileid.u32  }
0xd7: {  	s1 =	rddreg [dreg:$0x1];
	p0 =	sne.s32 s2, $0x0  }
0xd8: {  	s3 =	rddreg [dreg:$0x2];
	[bflag:$0x3] =	sbarrier.arrive $0xFFFF;
	s2 =	simm.s32 @!p0 $0x1C01  }
0xd9: {  	[timem:s3], [sflag:s2] =	dma.local @!p0 [hbm:s0], s1  }
0xda: {  	s0 =	simm.s32 @!p0 $0x1  }
0xdb: {  	_ =	swait.ge @!p0 [sflag:s0], s1  }
0xdc: {  	s1 =	ssub.s32 @!p0 $0x0, s1;
	[sflag:s0] =	ssyncset.done @!p0 $0x0  }
0xdd: {  	[sflag:s0] =	ssyncadd.s32 @!p0 s1  }
0xde: {  	[bflag:$0x3] =	sbarrier.arrive $0xFFFF  }
0xdf: {  	_ =	shalt  }

</sc_bundles>
